<compile_context>
chip_gen: v7x
topology: tpu7x:2x2x1
jax: 0.10.2.dev20260603
libtpu: 0.0.44.dev20260713+nightly
codegen_flags: <defaults>
</compile_context>

<pallas_src>
import functools

import jax
import jax.numpy as jnp
from jax import lax
from jax.experimental import pallas as pl
from jax.experimental.pallas import tpu as pltpu
from jax.experimental.pallas import tpu_sc as plsc

N = 10000
E = 160000
D = 256
DH = 128
NT = 16
NC = 2
EPT = E // NT
CHUNK = 128
NCHUNK = 79
HALF = NCHUNK // 2
EPAD = NCHUNK * CHUNK
SROWS = 10240
RPT = SROWS // NT
ZR = 128
BM = 400
NBLK = N // BM

@functools.lru_cache(maxsize=None)
def _mesh():
    return plsc.VectorSubcoreMesh(core_axis_name="c", subcore_axis_name="s",
                                  num_cores=NC, num_subcores=NT)


@functools.lru_cache(maxsize=None)
def _make_deg():
    return pl.kernel(
        _deg_body,
        out_type=jax.ShapeDtypeStruct((SROWS, DH), jnp.float32),
        mesh=_mesh(),
        scratch_types=[
            pltpu.VMEM((NCHUNK, CHUNK), jnp.int32),
            pltpu.VMEM((CHUNK, DH), jnp.float32),
            pltpu.VMEM_SHARED((SROWS, DH), jnp.float32),
        ],
    )


def _zero_tile_slice(zsrc, shared, base):
    for k in range(RPT // ZR):
        pltpu.sync_copy(zsrc, shared.at[pl.ds(base + k * ZR, ZR)])
    rem = RPT % ZR
    if rem:
        pltpu.sync_copy(zsrc.at[pl.ds(0, rem)],
                        shared.at[pl.ds(base + (RPT // ZR) * ZR, rem)])


def _deg_body(dst_hbm, ones_hbm, zer_hbm, out_hbm, dstv, ones_v, shared):
    cid = lax.axis_index("c")
    sid = lax.axis_index("s")
    pltpu.sync_copy(ones_hbm, ones_v)
    _zero_tile_slice(zer_hbm, shared, sid * RPT)
    plsc.subcore_barrier()
    pltpu.sync_copy(dst_hbm.at[sid], dstv)

    def body(j, carry):
        pltpu.sync_copy(ones_v, shared.at[dstv.at[j]], add=True)
        return carry
    lax.fori_loop(0, NCHUNK, body, 0)
    plsc.subcore_barrier()

    @pl.when(cid == 0)
    def _():
        pltpu.sync_copy(shared.at[pl.ds(sid * RPT, RPT)],
                        out_hbm.at[pl.ds(sid * RPT, RPT)])


@functools.lru_cache(maxsize=None)
def _make_agg():
    return pl.kernel(
        _agg_body,
        out_type=jax.ShapeDtypeStruct((NC, SROWS, DH), jnp.float32),
        mesh=_mesh(),
        scratch_types=[
            pltpu.VMEM((NCHUNK, CHUNK), jnp.int32),
            pltpu.VMEM((NCHUNK, CHUNK), jnp.int32),
            pltpu.VMEM((CHUNK, DH), jnp.float32),
            pltpu.VMEM_SHARED((SROWS, DH), jnp.float32),
        ],
    )


def _agg_body(g_hbm, src_hbm, dst_hbm, zer_hbm, out_hbm, srcv, dstv, rows, shared):
    cid = lax.axis_index("c")
    sid = lax.axis_index("s")
    _zero_tile_slice(zer_hbm, shared, sid * RPT)
    plsc.subcore_barrier()
    pltpu.sync_copy(src_hbm.at[cid, sid], srcv)
    pltpu.sync_copy(dst_hbm.at[sid], dstv)

    def body(j, carry):
        pltpu.sync_copy(g_hbm.at[srcv.at[j]], rows)
        pltpu.sync_copy(rows, shared.at[dstv.at[j]], add=True)
        return carry
    lax.fori_loop(0, NCHUNK, body, 0)
    plsc.subcore_barrier()

    pltpu.sync_copy(shared.at[pl.ds(sid * RPT, RPT)],
                    out_hbm.at[cid, pl.ds(sid * RPT, RPT)])


def _dinv_from(degc_ref):
    deg = degc_ref[:, 0:1] + 1.0
    return lax.rsqrt(deg)


def _mm_scale_body(x_ref, w_ref, degc_ref, out_ref):
    dinv = _dinv_from(degc_ref)
    out_ref[...] = jnp.dot(x_ref[...], w_ref[...],
                           preferred_element_type=jnp.float32) * dinv


def _mm_scale(x, w, degcol):
    return pl.pallas_call(
        _mm_scale_body,
        grid=(NBLK, NC),
        in_specs=[
            pl.BlockSpec((BM, D), lambda i, c: (i, 0)),
            pl.BlockSpec((D, DH), lambda i, c: (0, c)),
            pl.BlockSpec((BM, DH), lambda i, c: (i, 0)),
        ],
        out_specs=pl.BlockSpec((BM, DH), lambda i, c: (c * NBLK + i, 0)),
        out_shape=jax.ShapeDtypeStruct((NC * N, DH), jnp.float32),
    )(x, w, degcol)


def _layer2_body(a0_ref, a1_ref, g0_ref, g1_ref, degc_ref, b_ref, w_ref, out_ref):
    dinv = _dinv_from(degc_ref)
    a = jnp.concatenate([a0_ref[0] + g0_ref[...],
                         a1_ref[0] + g1_ref[...]], axis=1)
    a = jnp.maximum(a * dinv + b_ref[...], 0.0)
    out_ref[...] = jnp.dot(a, w_ref[...],
                           preferred_element_type=jnp.float32) * dinv


def _layer2(acc, g, degcol, b1, w2):
    return pl.pallas_call(
        _layer2_body,
        grid=(NBLK, NC),
        in_specs=[
            pl.BlockSpec((1, BM, DH), lambda i, c: (0, i, 0)),
            pl.BlockSpec((1, BM, DH), lambda i, c: (1, i, 0)),
            pl.BlockSpec((BM, DH), lambda i, c: (i, 0)),
            pl.BlockSpec((BM, DH), lambda i, c: (NBLK + i, 0)),
            pl.BlockSpec((BM, DH), lambda i, c: (i, 0)),
            pl.BlockSpec((1, D), lambda i, c: (0, 0)),
            pl.BlockSpec((D, DH), lambda i, c: (0, c)),
        ],
        out_specs=pl.BlockSpec((BM, DH), lambda i, c: (c * NBLK + i, 0)),
        out_shape=jax.ShapeDtypeStruct((NC * N, DH), jnp.float32),
    )(acc, acc, g, g, degcol, b1, w2)


def _final_body(a0_ref, a1_ref, g0_ref, g1_ref, degc_ref, b_ref, out_ref):
    dinv = _dinv_from(degc_ref)
    a = jnp.concatenate([a0_ref[0] + g0_ref[...],
                         a1_ref[0] + g1_ref[...]], axis=1)
    out_ref[...] = a * dinv + b_ref[...]


def _final(acc, g, degcol, b2):
    return pl.pallas_call(
        _final_body,
        grid=(NBLK,),
        in_specs=[
            pl.BlockSpec((1, BM, DH), lambda i: (0, i, 0)),
            pl.BlockSpec((1, BM, DH), lambda i: (1, i, 0)),
            pl.BlockSpec((BM, DH), lambda i: (i, 0)),
            pl.BlockSpec((BM, DH), lambda i: (NBLK + i, 0)),
            pl.BlockSpec((BM, DH), lambda i: (i, 0)),
            pl.BlockSpec((1, D), lambda i: (0, 0)),
        ],
        out_specs=pl.BlockSpec((BM, D), lambda i: (i, 0)),
        out_shape=jax.ShapeDtypeStruct((N, D), jnp.float32),
    )(acc, acc, g, g, degcol, b2)


def kernel(edges, x, W1, b1, W2, b2):
    src = edges[:, 0]
    dst = edges[:, 1]
    pad = EPAD - EPT
    srcp = jnp.pad(src.reshape(NT, EPT), ((0, 0), (0, pad)))
    dstp = jnp.pad(dst.reshape(NT, EPT), ((0, 0), (0, pad)),
                   constant_values=N)
    src2 = jnp.stack([srcp, srcp + N]).reshape(NC, NT, NCHUNK, CHUNK)
    dst3 = dstp.reshape(NT, NCHUNK, CHUNK)

    ones128 = jnp.ones((CHUNK, DH), jnp.float32)
    zer128 = jnp.zeros((ZR, DH), jnp.float32)

    degcol = _make_deg()(dst3, ones128, zer128)
    b1r = b1.reshape(1, D)
    b2r = b2.reshape(1, D)

    agg = _make_agg()
    g1 = _mm_scale(x, W1, degcol)
    acc1 = agg(g1, src2, dst3, zer128)
    g2 = _layer2(acc1, g1, degcol, b1r, W2)
    acc2 = agg(g2, src2, dst3, zer128)
    return _final(acc2, g2, degcol, b2r)

# --- scband reference (transcript-rebuilt; emitter-appended) ---
"""Pipeline reference for scband-encoder-5669356831856 (READ-ONLY COPY).

The authoritative reference and input builder live on the scoring server;
editing this copy changes nothing except your own understanding.
"""

import jax, jax.numpy as jnp
import numpy as np

N = 10000
E = 160000
D = 256


def gcn_layer(x, src, dst, W, b):
    # PyG GCNConv semantics (improved=False): linear transform, add self-loops,
    # symmetric deg^{-1/2} normalization, sum aggregation at dst, add bias.
    n = x.shape[0]
    h = x @ W
    loop = jnp.arange(n, dtype=src.dtype)
    s = jnp.concatenate([src, loop])
    d = jnp.concatenate([dst, loop])
    deg = jnp.zeros((n,), dtype=x.dtype).at[d].add(1.0)
    dinv = jnp.where(deg > 0, 1.0 / jnp.sqrt(deg), 0.0)
    norm = dinv[s] * dinv[d]
    msg = h[s] * norm[:, None]
    out = jax.ops.segment_sum(msg, d, num_segments=n)
    return out + b


def setup_inputs(seed: int = 0) -> dict:
    key = jax.random.key(seed)
    k1, k2, k3, k4, k5, k6 = jax.random.split(key, 6)
    edges = jax.random.randint(k1, (E, 2), 0, N).astype(jnp.int32)
    x = jax.random.normal(k2, (N, D), dtype=jnp.float32)
    scale = 1.0 / np.sqrt(D)
    W1 = jax.random.normal(k3, (D, D), dtype=jnp.float32) * scale
    b1 = jnp.zeros((D,), dtype=jnp.float32)
    W2 = jax.random.normal(k4, (D, D), dtype=jnp.float32) * scale
    b2 = jnp.zeros((D,), dtype=jnp.float32)
    return {"edges": edges, "x": x, "W1": W1, "b1": b1, "W2": W2, "b2": b2}


def reference(edges, x, W1, b1, W2, b2):
    # Encoder.forward with name='gcn-align': edges = edges.t(); two GCN layers
    # with activation in between (feat_drop = 0.0 -> dropout is identity).
    ei = edges.T
    src, dst = ei[0], ei[1]
    h = gcn_layer(x, src, dst, W1, b1)
    h = jax.nn.relu(h)
    h = gcn_layer(h, src, dst, W2, b2)
    return h

if __name__ == "__main__":
    import jax
    _d = setup_inputs()
    print(jax.jit(kernel)(*tuple(_d.values())))

</pallas_src>

<mosaic_0001>
#map = affine_map<(d0, d1) -> (0, 0, 0)>
#map1 = affine_map<(d0, d1) -> (0, 0)>
module attributes {stable_mosaic.version = 14 : i64} {
  func.func @_deg_body(%arg0: i32, %arg1: i32, %arg2: memref<16x79x128xi32, #tpu.memory_space<hbm>>, %arg3: memref<128x128xf32, #tpu.memory_space<hbm>>, %arg4: memref<128x128xf32, #tpu.memory_space<hbm>>, %arg5: memref<10240x128xf32, #tpu.memory_space<hbm>>, %arg6: memref<79x128xi32, #tpu.memory_space<vmem>>, %arg7: memref<128x128xf32, #tpu.memory_space<vmem>>, %arg8: memref<10240x128xf32, #tpu.memory_space<vmem_shared>>) attributes {dimension_semantics = [#tpu.dimension_semantics<core_parallel>, #tpu.dimension_semantics<subcore_parallel>], iteration_bounds = array<i64: 2, 16>, scalar_prefetch = 0 : i64, scratch_operands = 3 : i64, tpu.core_type = #tpu.core_type<sc_vector_subcore>, window_params = [{transform_indices = #map}, {transform_indices = #map1}, {transform_indices = #map1}, {transform_indices = #map1}]} {
    "tpu.region"() ({
      %run_scoped3A = tpu.sem_alloc : memref<!tpu.dma_semaphore, #tpu.memory_space<semaphore_mem>>
      tpu.enqueue_dma source(%arg3 : memref<128x128xf32, #tpu.memory_space<hbm>>) target(%arg7 : memref<128x128xf32, #tpu.memory_space<vmem>>) target_semaphore(%run_scoped3A : memref<!tpu.dma_semaphore, #tpu.memory_space<semaphore_mem>>)
      tpu.wait_dma2 semaphore(%run_scoped3A : memref<!tpu.dma_semaphore, #tpu.memory_space<semaphore_mem>>) src(%arg3 : memref<128x128xf32, #tpu.memory_space<hbm>>) dst(%arg7 : memref<128x128xf32, #tpu.memory_space<vmem>>)
      tpu.yield
    }) : () -> ()
    %mul3A = arith.constant 640 : i32
    %mul3A_0 = arith.muli %arg1, %mul3A : i32
    %add3A = arith.constant 0 : i32
    %add3A_1 = arith.addi %mul3A_0, %add3A : i32
    "tpu.region"() ({
      %run_scoped3A = tpu.sem_alloc : memref<!tpu.dma_semaphore, #tpu.memory_space<semaphore_mem>>
      %dma_start3A = arith.constant 0 : i32
      %dma_start3A_18 = tpu.memref_slice %arg8[%add3A_1, %dma_start3A] : memref<10240x128xf32, #tpu.memory_space<vmem_shared>> -> memref<128x128xf32, #tpu.memory_space<vmem_shared>>
      tpu.enqueue_dma source(%arg4 : memref<128x128xf32, #tpu.memory_space<hbm>>) target(%dma_start3A_18 : memref<128x128xf32, #tpu.memory_space<vmem_shared>>) target_semaphore(%run_scoped3A : memref<!tpu.dma_semaphore, #tpu.memory_space<semaphore_mem>>)
      %dma_wait3A = arith.constant 0 : i32
      %dma_wait3A_19 = tpu.memref_slice %arg8[%add3A_1, %dma_wait3A] : memref<10240x128xf32, #tpu.memory_space<vmem_shared>> -> memref<128x128xf32, #tpu.memory_space<vmem_shared>>
      tpu.wait_dma2 semaphore(%run_scoped3A : memref<!tpu.dma_semaphore, #tpu.memory_space<semaphore_mem>>) src(%arg4 : memref<128x128xf32, #tpu.memory_space<hbm>>) dst(%dma_wait3A_19 : memref<128x128xf32, #tpu.memory_space<vmem_shared>>)
      tpu.yield
    }) : () -> ()
    %add3A_2 = arith.constant 128 : i32
    %add3A_3 = arith.addi %mul3A_0, %add3A_2 : i32
    "tpu.region"() ({
      %run_scoped3A = tpu.sem_alloc : memref<!tpu.dma_semaphore, #tpu.memory_space<semaphore_mem>>
      %dma_start3A = arith.constant 0 : i32
      %dma_start3A_18 = tpu.memref_slice %arg8[%add3A_3, %dma_start3A] : memref<10240x128xf32, #tpu.memory_space<vmem_shared>> -> memref<128x128xf32, #tpu.memory_space<vmem_shared>>
      tpu.enqueue_dma source(%arg4 : memref<128x128xf32, #tpu.memory_space<hbm>>) target(%dma_start3A_18 : memref<128x128xf32, #tpu.memory_space<vmem_shared>>) target_semaphore(%run_scoped3A : memref<!tpu.dma_semaphore, #tpu.memory_space<semaphore_mem>>)
      %dma_wait3A = arith.constant 0 : i32
      %dma_wait3A_19 = tpu.memref_slice %arg8[%add3A_3, %dma_wait3A] : memref<10240x128xf32, #tpu.memory_space<vmem_shared>> -> memref<128x128xf32, #tpu.memory_space<vmem_shared>>
      tpu.wait_dma2 semaphore(%run_scoped3A : memref<!tpu.dma_semaphore, #tpu.memory_space<semaphore_mem>>) src(%arg4 : memref<128x128xf32, #tpu.memory_space<hbm>>) dst(%dma_wait3A_19 : memref<128x128xf32, #tpu.memory_space<vmem_shared>>)
      tpu.yield
    }) : () -> ()
    %add3A_4 = arith.constant 256 : i32
    %add3A_5 = arith.addi %mul3A_0, %add3A_4 : i32
    "tpu.region"() ({
      %run_scoped3A = tpu.sem_alloc : memref<!tpu.dma_semaphore, #tpu.memory_space<semaphore_mem>>
      %dma_start3A = arith.constant 0 : i32
      %dma_start3A_18 = tpu.memref_slice %arg8[%add3A_5, %dma_start3A] : memref<10240x128xf32, #tpu.memory_space<vmem_shared>> -> memref<128x128xf32, #tpu.memory_space<vmem_shared>>
      tpu.enqueue_dma source(%arg4 : memref<128x128xf32, #tpu.memory_space<hbm>>) target(%dma_start3A_18 : memref<128x128xf32, #tpu.memory_space<vmem_shared>>) target_semaphore(%run_scoped3A : memref<!tpu.dma_semaphore, #tpu.memory_space<semaphore_mem>>)
      %dma_wait3A = arith.constant 0 : i32
      %dma_wait3A_19 = tpu.memref_slice %arg8[%add3A_5, %dma_wait3A] : memref<10240x128xf32, #tpu.memory_space<vmem_shared>> -> memref<128x128xf32, #tpu.memory_space<vmem_shared>>
      tpu.wait_dma2 semaphore(%run_scoped3A : memref<!tpu.dma_semaphore, #tpu.memory_space<semaphore_mem>>) src(%arg4 : memref<128x128xf32, #tpu.memory_space<hbm>>) dst(%dma_wait3A_19 : memref<128x128xf32, #tpu.memory_space<vmem_shared>>)
      tpu.yield
    }) : () -> ()
    %add3A_6 = arith.constant 384 : i32
    %add3A_7 = arith.addi %mul3A_0, %add3A_6 : i32
    "tpu.region"() ({
      %run_scoped3A = tpu.sem_alloc : memref<!tpu.dma_semaphore, #tpu.memory_space<semaphore_mem>>
      %dma_start3A = arith.constant 0 : i32
      %dma_start3A_18 = tpu.memref_slice %arg8[%add3A_7, %dma_start3A] : memref<10240x128xf32, #tpu.memory_space<vmem_shared>> -> memref<128x128xf32, #tpu.memory_space<vmem_shared>>
      tpu.enqueue_dma source(%arg4 : memref<128x128xf32, #tpu.memory_space<hbm>>) target(%dma_start3A_18 : memref<128x128xf32, #tpu.memory_space<vmem_shared>>) target_semaphore(%run_scoped3A : memref<!tpu.dma_semaphore, #tpu.memory_space<semaphore_mem>>)
      %dma_wait3A = arith.constant 0 : i32
      %dma_wait3A_19 = tpu.memref_slice %arg8[%add3A_7, %dma_wait3A] : memref<10240x128xf32, #tpu.memory_space<vmem_shared>> -> memref<128x128xf32, #tpu.memory_space<vmem_shared>>
      tpu.wait_dma2 semaphore(%run_scoped3A : memref<!tpu.dma_semaphore, #tpu.memory_space<semaphore_mem>>) src(%arg4 : memref<128x128xf32, #tpu.memory_space<hbm>>) dst(%dma_wait3A_19 : memref<128x128xf32, #tpu.memory_space<vmem_shared>>)
      tpu.yield
    }) : () -> ()
    %add3A_8 = arith.constant 512 : i32
    %add3A_9 = arith.addi %mul3A_0, %add3A_8 : i32
    "tpu.region"() ({
      %run_scoped3A = tpu.sem_alloc : memref<!tpu.dma_semaphore, #tpu.memory_space<semaphore_mem>>
      %dma_start3A = arith.constant 0 : i32
      %dma_start3A_18 = tpu.memref_slice %arg8[%add3A_9, %dma_start3A] : memref<10240x128xf32, #tpu.memory_space<vmem_shared>> -> memref<128x128xf32, #tpu.memory_space<vmem_shared>>
      tpu.enqueue_dma source(%arg4 : memref<128x128xf32, #tpu.memory_space<hbm>>) target(%dma_start3A_18 : memref<128x128xf32, #tpu.memory_space<vmem_shared>>) target_semaphore(%run_scoped3A : memref<!tpu.dma_semaphore, #tpu.memory_space<semaphore_mem>>)
      %dma_wait3A = arith.constant 0 : i32
      %dma_wait3A_19 = tpu.memref_slice %arg8[%add3A_9, %dma_wait3A] : memref<10240x128xf32, #tpu.memory_space<vmem_shared>> -> memref<128x128xf32, #tpu.memory_space<vmem_shared>>
      tpu.wait_dma2 semaphore(%run_scoped3A : memref<!tpu.dma_semaphore, #tpu.memory_space<semaphore_mem>>) src(%arg4 : memref<128x128xf32, #tpu.memory_space<hbm>>) dst(%dma_wait3A_19 : memref<128x128xf32, #tpu.memory_space<vmem_shared>>)
      tpu.yield
    }) : () -> ()
    %barrier3A = arith.constant 0 : index
    tpu.barrier barrier_id(%barrier3A)
    "tpu.region"() ({
      %run_scoped3A = tpu.sem_alloc : memref<!tpu.dma_semaphore, #tpu.memory_space<semaphore_mem>>
      %dma_start3A = arith.constant 0 : i32
      %dma_start3A_18 = arith.constant 0 : i32
      %dma_start3A_19 = tpu.memref_slice %arg2[%arg1, %dma_start3A, %dma_start3A_18] : memref<16x79x128xi32, #tpu.memory_space<hbm>> -> memref<1x79x128xi32, #tpu.memory_space<hbm>>
      %dma_start3A_20 = tpu.memref_squeeze %dma_start3A_19 : memref<1x79x128xi32, #tpu.memory_space<hbm>> -> memref<79x128xi32, #tpu.memory_space<hbm>>
      %dma_start3A_21 = arith.constant 0 : i32
      %dma_start3A_22 = arith.constant 0 : i32
      %dma_start3A_23 = tpu.memref_slice %arg2[%arg1, %dma_start3A_21, %dma_start3A_22] : memref<16x79x128xi32, #tpu.memory_space<hbm>> -> memref<1x79x128xi32, #tpu.memory_space<hbm>>
      %dma_start3A_24 = tpu.memref_squeeze %dma_start3A_23 : memref<1x79x128xi32, #tpu.memory_space<hbm>> -> memref<79x128xi32, #tpu.memory_space<hbm>>
      tpu.enqueue_dma source(%dma_start3A_24 : memref<79x128xi32, #tpu.memory_space<hbm>>) target(%arg6 : memref<79x128xi32, #tpu.memory_space<vmem>>) target_semaphore(%run_scoped3A : memref<!tpu.dma_semaphore, #tpu.memory_space<semaphore_mem>>)
      %dma_wait3A = arith.constant 0 : i32
      %dma_wait3A_25 = arith.constant 0 : i32
      %dma_wait3A_26 = tpu.memref_slice %arg2[%arg1, %dma_wait3A, %dma_wait3A_25] : memref<16x79x128xi32, #tpu.memory_space<hbm>> -> memref<1x79x128xi32, #tpu.memory_space<hbm>>
      %dma_wait3A_27 = tpu.memref_squeeze %dma_wait3A_26 : memref<1x79x128xi32, #tpu.memory_space<hbm>> -> memref<79x128xi32, #tpu.memory_space<hbm>>
      %dma_wait3A_28 = arith.constant 0 : i32
      %dma_wait3A_29 = arith.constant 0 : i32
      %dma_wait3A_30 = tpu.memref_slice %arg2[%arg1, %dma_wait3A_28, %dma_wait3A_29] : memref<16x79x128xi32, #tpu.memory_space<hbm>> -> memref<1x79x128xi32, #tpu.memory_space<hbm>>
      %dma_wait3A_31 = tpu.memref_squeeze %dma_wait3A_30 : memref<1x79x128xi32, #tpu.memory_space<hbm>> -> memref<79x128xi32, #tpu.memory_space<hbm>>
      tpu.wait_dma2 semaphore(%run_scoped3A : memref<!tpu.dma_semaphore, #tpu.memory_space<semaphore_mem>>) src(%dma_wait3A_31 : memref<79x128xi32, #tpu.memory_space<hbm>>) dst(%arg6 : memref<79x128xi32, #tpu.memory_space<vmem>>)
      tpu.yield
    }) : () -> ()
    %scan3A = arith.constant 0 : i32
    %scan3A_10 = arith.constant 0 : i32
    %scan3A_11 = arith.constant 79 : i32
    %scan3A_12 = arith.addi %scan3A_10, %scan3A_11 : i32
    %scan3A_13 = arith.constant 1 : i32
    scf.for %scan3A_18 = %scan3A_10 to %scan3A_12 step %scan3A_13  : i32 {
      "tpu.region"() ({
        %run_scoped3A = tpu.sem_alloc : memref<!tpu.dma_semaphore, #tpu.memory_space<semaphore_mem>>
        %dma_start3A = arith.constant 0 : i32
        %dma_start3A_19 = tpu.memref_slice %arg6[%scan3A_18, %dma_start3A] : memref<79x128xi32, #tpu.memory_space<vmem>> -> memref<1x128xi32, #tpu.memory_space<vmem>>
        %dma_start3A_20 = tpu.memref_squeeze %dma_start3A_19 : memref<1x128xi32, #tpu.memory_space<vmem>> -> memref<128xi32, #tpu.memory_space<vmem>>
        %dma_start3A_21 = arith.constant 0 : i32
        %dma_start3A_22 = arith.constant 0 : i32
        %dma_start3A_23 = tpu.memref_slice %arg8[%dma_start3A_21, %dma_start3A_22] : memref<10240x128xf32, #tpu.memory_space<vmem_shared>> -> memref<10240x128xf32, #tpu.memory_space<vmem_shared>>
        tpu.enqueue_indirect_dma source(%arg7 : memref<128x128xf32, #tpu.memory_space<vmem>>) target(%dma_start3A_23 : memref<10240x128xf32, #tpu.memory_space<vmem_shared>>) offsets(%dma_start3A_20 : memref<128xi32, #tpu.memory_space<vmem>>) semaphore(%run_scoped3A : memref<!tpu.dma_semaphore, #tpu.memory_space<semaphore_mem>>) {add = true}
        %dma_wait3A = arith.constant 0 : i32
        %dma_wait3A_24 = tpu.memref_slice %arg6[%scan3A_18, %dma_wait3A] : memref<79x128xi32, #tpu.memory_space<vmem>> -> memref<1x128xi32, #tpu.memory_space<vmem>>
        %dma_wait3A_25 = tpu.memref_squeeze %dma_wait3A_24 : memref<1x128xi32, #tpu.memory_space<vmem>> -> memref<128xi32, #tpu.memory_space<vmem>>
        %dma_wait3A_26 = arith.constant 0 : i32
        %dma_wait3A_27 = arith.constant 0 : i32
        %dma_wait3A_28 = tpu.memref_slice %arg8[%dma_wait3A_26, %dma_wait3A_27] : memref<10240x128xf32, #tpu.memory_space<vmem_shared>> -> memref<10240x128xf32, #tpu.memory_space<vmem_shared>>
        tpu.wait_indirect_dma semaphore(%run_scoped3A : memref<!tpu.dma_semaphore, #tpu.memory_space<semaphore_mem>>) src(%arg7 : memref<128x128xf32, #tpu.memory_space<vmem>>) dst(%dma_wait3A_28 : memref<10240x128xf32, #tpu.memory_space<vmem_shared>>)
        tpu.yield
      }) : () -> ()
    }
    %scan3A_14 = arith.constant 79 : i32
    %barrier3A_15 = arith.constant 0 : index
    tpu.barrier barrier_id(%barrier3A_15)
    %eq3A = arith.constant 0 : i32
    %eq3A_16 = arith.cmpi eq, %arg0, %eq3A : i32
    %convert_element_type3A = arith.extui %eq3A_16 : i1 to i32
    %cond3A = arith.constant 0 : i32
    %cond3A_17 = arith.cmpi ne, %convert_element_type3A, %cond3A : i32
    scf.if %cond3A_17 {
      %mul3A_18 = arith.constant 640 : i32
      %mul3A_19 = arith.muli %arg1, %mul3A_18 : i32
      %mul3A_20 = arith.constant 640 : i32
      %mul3A_21 = arith.muli %arg1, %mul3A_20 : i32
      "tpu.region"() ({
        %run_scoped3A = tpu.sem_alloc : memref<!tpu.dma_semaphore, #tpu.memory_space<semaphore_mem>>
        %dma_start3A = arith.constant 0 : i32
        %dma_start3A_22 = tpu.memref_slice %arg5[%mul3A_21, %dma_start3A] : memref<10240x128xf32, #tpu.memory_space<hbm>> -> memref<640x128xf32, #tpu.memory_space<hbm>>
        %dma_start3A_23 = arith.constant 0 : i32
        %dma_start3A_24 = tpu.memref_slice %arg8[%mul3A_19, %dma_start3A_23] : memref<10240x128xf32, #tpu.memory_space<vmem_shared>> -> memref<640x128xf32, #tpu.memory_space<vmem_shared>>
        tpu.enqueue_dma source(%dma_start3A_24 : memref<640x128xf32, #tpu.memory_space<vmem_shared>>) target(%dma_start3A_22 : memref<640x128xf32, #tpu.memory_space<hbm>>) target_semaphore(%run_scoped3A : memref<!tpu.dma_semaphore, #tpu.memory_space<semaphore_mem>>)
        %dma_wait3A = arith.constant 0 : i32
        %dma_wait3A_25 = tpu.memref_slice %arg5[%mul3A_21, %dma_wait3A] : memref<10240x128xf32, #tpu.memory_space<hbm>> -> memref<640x128xf32, #tpu.memory_space<hbm>>
        %dma_wait3A_26 = arith.constant 0 : i32
        %dma_wait3A_27 = tpu.memref_slice %arg8[%mul3A_19, %dma_wait3A_26] : memref<10240x128xf32, #tpu.memory_space<vmem_shared>> -> memref<640x128xf32, #tpu.memory_space<vmem_shared>>
        tpu.wait_dma2 semaphore(%run_scoped3A : memref<!tpu.dma_semaphore, #tpu.memory_space<semaphore_mem>>) src(%dma_wait3A_27 : memref<640x128xf32, #tpu.memory_space<vmem_shared>>) dst(%dma_wait3A_25 : memref<640x128xf32, #tpu.memory_space<hbm>>)
        tpu.yield
      }) : () -> ()
    } else {
    }
    return
  }
}

#map = affine_map<(d0, d1) -> (0, 0)>
#map1 = affine_map<(d0, d1) -> (0, 0, 0, 0)>
#map2 = affine_map<(d0, d1) -> (0, 0, 0)>
module attributes {stable_mosaic.version = 14 : i64} {
  func.func @_agg_body(%arg0: i32, %arg1: i32, %arg2: memref<20000x128xf32, #tpu.memory_space<hbm>>, %arg3: memref<2x16x79x128xi32, #tpu.memory_space<hbm>>, %arg4: memref<16x79x128xi32, #tpu.memory_space<hbm>>, %arg5: memref<128x128xf32, #tpu.memory_space<hbm>>, %arg6: memref<2x10240x128xf32, #tpu.memory_space<hbm>>, %arg7: memref<79x128xi32, #tpu.memory_space<vmem>>, %arg8: memref<79x128xi32, #tpu.memory_space<vmem>>, %arg9: memref<128x128xf32, #tpu.memory_space<vmem>>, %arg10: memref<10240x128xf32, #tpu.memory_space<vmem_shared>>) attributes {dimension_semantics = [#tpu.dimension_semantics<core_parallel>, #tpu.dimension_semantics<subcore_parallel>], iteration_bounds = array<i64: 2, 16>, scalar_prefetch = 0 : i64, scratch_operands = 4 : i64, tpu.core_type = #tpu.core_type<sc_vector_subcore>, window_params = [{transform_indices = #map}, {transform_indices = #map1}, {transform_indices = #map2}, {transform_indices = #map}, {transform_indices = #map2}]} {
    %mul3A = arith.constant 640 : i32
    %mul3A_0 = arith.muli %arg1, %mul3A : i32
    %add3A = arith.constant 0 : i32
    %add3A_1 = arith.addi %mul3A_0, %add3A : i32
    "tpu.region"() ({
      %run_scoped3A = tpu.sem_alloc : memref<!tpu.dma_semaphore, #tpu.memory_space<semaphore_mem>>
      %dma_start3A = arith.constant 0 : i32
      %dma_start3A_20 = tpu.memref_slice %arg10[%add3A_1, %dma_start3A] : memref<10240x128xf32, #tpu.memory_space<vmem_shared>> -> memref<128x128xf32, #tpu.memory_space<vmem_shared>>
      tpu.enqueue_dma source(%arg5 : memref<128x128xf32, #tpu.memory_space<hbm>>) target(%dma_start3A_20 : memref<128x128xf32, #tpu.memory_space<vmem_shared>>) target_semaphore(%run_scoped3A : memref<!tpu.dma_semaphore, #tpu.memory_space<semaphore_mem>>)
      %dma_wait3A = arith.constant 0 : i32
      %dma_wait3A_21 = tpu.memref_slice %arg10[%add3A_1, %dma_wait3A] : memref<10240x128xf32, #tpu.memory_space<vmem_shared>> -> memref<128x128xf32, #tpu.memory_space<vmem_shared>>
      tpu.wait_dma2 semaphore(%run_scoped3A : memref<!tpu.dma_semaphore, #tpu.memory_space<semaphore_mem>>) src(%arg5 : memref<128x128xf32, #tpu.memory_space<hbm>>) dst(%dma_wait3A_21 : memref<128x128xf32, #tpu.memory_space<vmem_shared>>)
      tpu.yield
    }) : () -> ()
    %add3A_2 = arith.constant 128 : i32
    %add3A_3 = arith.addi %mul3A_0, %add3A_2 : i32
    "tpu.region"() ({
      %run_scoped3A = tpu.sem_alloc : memref<!tpu.dma_semaphore, #tpu.memory_space<semaphore_mem>>
      %dma_start3A = arith.constant 0 : i32
      %dma_start3A_20 = tpu.memref_slice %arg10[%add3A_3, %dma_start3A] : memref<10240x128xf32, #tpu.memory_space<vmem_shared>> -> memref<128x128xf32, #tpu.memory_space<vmem_shared>>
      tpu.enqueue_dma source(%arg5 : memref<128x128xf32, #tpu.memory_space<hbm>>) target(%dma_start3A_20 : memref<128x128xf32, #tpu.memory_space<vmem_shared>>) target_semaphore(%run_scoped3A : memref<!tpu.dma_semaphore, #tpu.memory_space<semaphore_mem>>)
      %dma_wait3A = arith.constant 0 : i32
      %dma_wait3A_21 = tpu.memref_slice %arg10[%add3A_3, %dma_wait3A] : memref<10240x128xf32, #tpu.memory_space<vmem_shared>> -> memref<128x128xf32, #tpu.memory_space<vmem_shared>>
      tpu.wait_dma2 semaphore(%run_scoped3A : memref<!tpu.dma_semaphore, #tpu.memory_space<semaphore_mem>>) src(%arg5 : memref<128x128xf32, #tpu.memory_space<hbm>>) dst(%dma_wait3A_21 : memref<128x128xf32, #tpu.memory_space<vmem_shared>>)
      tpu.yield
    }) : () -> ()
    %add3A_4 = arith.constant 256 : i32
    %add3A_5 = arith.addi %mul3A_0, %add3A_4 : i32
    "tpu.region"() ({
      %run_scoped3A = tpu.sem_alloc : memref<!tpu.dma_semaphore, #tpu.memory_space<semaphore_mem>>
      %dma_start3A = arith.constant 0 : i32
      %dma_start3A_20 = tpu.memref_slice %arg10[%add3A_5, %dma_start3A] : memref<10240x128xf32, #tpu.memory_space<vmem_shared>> -> memref<128x128xf32, #tpu.memory_space<vmem_shared>>
      tpu.enqueue_dma source(%arg5 : memref<128x128xf32, #tpu.memory_space<hbm>>) target(%dma_start3A_20 : memref<128x128xf32, #tpu.memory_space<vmem_shared>>) target_semaphore(%run_scoped3A : memref<!tpu.dma_semaphore, #tpu.memory_space<semaphore_mem>>)
      %dma_wait3A = arith.constant 0 : i32
      %dma_wait3A_21 = tpu.memref_slice %arg10[%add3A_5, %dma_wait3A] : memref<10240x128xf32, #tpu.memory_space<vmem_shared>> -> memref<128x128xf32, #tpu.memory_space<vmem_shared>>
      tpu.wait_dma2 semaphore(%run_scoped3A : memref<!tpu.dma_semaphore, #tpu.memory_space<semaphore_mem>>) src(%arg5 : memref<128x128xf32, #tpu.memory_space<hbm>>) dst(%dma_wait3A_21 : memref<128x128xf32, #tpu.memory_space<vmem_shared>>)
      tpu.yield
    }) : () -> ()
    %add3A_6 = arith.constant 384 : i32
    %add3A_7 = arith.addi %mul3A_0, %add3A_6 : i32
    "tpu.region"() ({
      %run_scoped3A = tpu.sem_alloc : memref<!tpu.dma_semaphore, #tpu.memory_space<semaphore_mem>>
      %dma_start3A = arith.constant 0 : i32
      %dma_start3A_20 = tpu.memref_slice %arg10[%add3A_7, %dma_start3A] : memref<10240x128xf32, #tpu.memory_space<vmem_shared>> -> memref<128x128xf32, #tpu.memory_space<vmem_shared>>
      tpu.enqueue_dma source(%arg5 : memref<128x128xf32, #tpu.memory_space<hbm>>) target(%dma_start3A_20 : memref<128x128xf32, #tpu.memory_space<vmem_shared>>) target_semaphore(%run_scoped3A : memref<!tpu.dma_semaphore, #tpu.memory_space<semaphore_mem>>)
      %dma_wait3A = arith.constant 0 : i32
      %dma_wait3A_21 = tpu.memref_slice %arg10[%add3A_7, %dma_wait3A] : memref<10240x128xf32, #tpu.memory_space<vmem_shared>> -> memref<128x128xf32, #tpu.memory_space<vmem_shared>>
      tpu.wait_dma2 semaphore(%run_scoped3A : memref<!tpu.dma_semaphore, #tpu.memory_space<semaphore_mem>>) src(%arg5 : memref<128x128xf32, #tpu.memory_space<hbm>>) dst(%dma_wait3A_21 : memref<128x128xf32, #tpu.memory_space<vmem_shared>>)
      tpu.yield
    }) : () -> ()
    %add3A_8 = arith.constant 512 : i32
    %add3A_9 = arith.addi %mul3A_0, %add3A_8 : i32
    "tpu.region"() ({
      %run_scoped3A = tpu.sem_alloc : memref<!tpu.dma_semaphore, #tpu.memory_space<semaphore_mem>>
      %dma_start3A = arith.constant 0 : i32
      %dma_start3A_20 = tpu.memref_slice %arg10[%add3A_9, %dma_start3A] : memref<10240x128xf32, #tpu.memory_space<vmem_shared>> -> memref<128x128xf32, #tpu.memory_space<vmem_shared>>
      tpu.enqueue_dma source(%arg5 : memref<128x128xf32, #tpu.memory_space<hbm>>) target(%dma_start3A_20 : memref<128x128xf32, #tpu.memory_space<vmem_shared>>) target_semaphore(%run_scoped3A : memref<!tpu.dma_semaphore, #tpu.memory_space<semaphore_mem>>)
      %dma_wait3A = arith.constant 0 : i32
      %dma_wait3A_21 = tpu.memref_slice %arg10[%add3A_9, %dma_wait3A] : memref<10240x128xf32, #tpu.memory_space<vmem_shared>> -> memref<128x128xf32, #tpu.memory_space<vmem_shared>>
      tpu.wait_dma2 semaphore(%run_scoped3A : memref<!tpu.dma_semaphore, #tpu.memory_space<semaphore_mem>>) src(%arg5 : memref<128x128xf32, #tpu.memory_space<hbm>>) dst(%dma_wait3A_21 : memref<128x128xf32, #tpu.memory_space<vmem_shared>>)
      tpu.yield
    }) : () -> ()
    %barrier3A = arith.constant 0 : index
    tpu.barrier barrier_id(%barrier3A)
    "tpu.region"() ({
      %run_scoped3A = tpu.sem_alloc : memref<!tpu.dma_semaphore, #tpu.memory_space<semaphore_mem>>
      %dma_start3A = arith.constant 0 : i32
      %dma_start3A_20 = arith.constant 0 : i32
      %dma_start3A_21 = tpu.memref_slice %arg3[%arg0, %arg1, %dma_start3A, %dma_start3A_20] : memref<2x16x79x128xi32, #tpu.memory_space<hbm>> -> memref<1x1x79x128xi32, #tpu.memory_space<hbm>>
      %dma_start3A_22 = tpu.memref_squeeze %dma_start3A_21 : memref<1x1x79x128xi32, #tpu.memory_space<hbm>> -> memref<79x128xi32, #tpu.memory_space<hbm>>
      %dma_start3A_23 = arith.constant 0 : i32
      %dma_start3A_24 = arith.constant 0 : i32
      %dma_start3A_25 = tpu.memref_slice %arg3[%arg0, %arg1, %dma_start3A_23, %dma_start3A_24] : memref<2x16x79x128xi32, #tpu.memory_space<hbm>> -> memref<1x1x79x128xi32, #tpu.memory_space<hbm>>
      %dma_start3A_26 = tpu.memref_squeeze %dma_start3A_25 : memref<1x1x79x128xi32, #tpu.memory_space<hbm>> -> memref<79x128xi32, #tpu.memory_space<hbm>>
      tpu.enqueue_dma source(%dma_start3A_26 : memref<79x128xi32, #tpu.memory_space<hbm>>) target(%arg7 : memref<79x128xi32, #tpu.memory_space<vmem>>) target_semaphore(%run_scoped3A : memref<!tpu.dma_semaphore, #tpu.memory_space<semaphore_mem>>)
      %dma_wait3A = arith.constant 0 : i32
      %dma_wait3A_27 = arith.constant 0 : i32
      %dma_wait3A_28 = tpu.memref_slice %arg3[%arg0, %arg1, %dma_wait3A, %dma_wait3A_27] : memref<2x16x79x128xi32, #tpu.memory_space<hbm>> -> memref<1x1x79x128xi32, #tpu.memory_space<hbm>>
      %dma_wait3A_29 = tpu.memref_squeeze %dma_wait3A_28 : memref<1x1x79x128xi32, #tpu.memory_space<hbm>> -> memref<79x128xi32, #tpu.memory_space<hbm>>
      %dma_wait3A_30 = arith.constant 0 : i32
      %dma_wait3A_31 = arith.constant 0 : i32
      %dma_wait3A_32 = tpu.memref_slice %arg3[%arg0, %arg1, %dma_wait3A_30, %dma_wait3A_31] : memref<2x16x79x128xi32, #tpu.memory_space<hbm>> -> memref<1x1x79x128xi32, #tpu.memory_space<hbm>>
      %dma_wait3A_33 = tpu.memref_squeeze %dma_wait3A_32 : memref<1x1x79x128xi32, #tpu.memory_space<hbm>> -> memref<79x128xi32, #tpu.memory_space<hbm>>
      tpu.wait_dma2 semaphore(%run_scoped3A : memref<!tpu.dma_semaphore, #tpu.memory_space<semaphore_mem>>) src(%dma_wait3A_33 : memref<79x128xi32, #tpu.memory_space<hbm>>) dst(%arg7 : memref<79x128xi32, #tpu.memory_space<vmem>>)
      tpu.yield
    }) : () -> ()
    "tpu.region"() ({
      %run_scoped3A = tpu.sem_alloc : memref<!tpu.dma_semaphore, #tpu.memory_space<semaphore_mem>>
      %dma_start3A = arith.constant 0 : i32
      %dma_start3A_20 = arith.constant 0 : i32
      %dma_start3A_21 = tpu.memref_slice %arg4[%arg1, %dma_start3A, %dma_start3A_20] : memref<16x79x128xi32, #tpu.memory_space<hbm>> -> memref<1x79x128xi32, #tpu.memory_space<hbm>>
      %dma_start3A_22 = tpu.memref_squeeze %dma_start3A_21 : memref<1x79x128xi32, #tpu.memory_space<hbm>> -> memref<79x128xi32, #tpu.memory_space<hbm>>
      %dma_start3A_23 = arith.constant 0 : i32
      %dma_start3A_24 = arith.constant 0 : i32
      %dma_start3A_25 = tpu.memref_slice %arg4[%arg1, %dma_start3A_23, %dma_start3A_24] : memref<16x79x128xi32, #tpu.memory_space<hbm>> -> memref<1x79x128xi32, #tpu.memory_space<hbm>>
      %dma_start3A_26 = tpu.memref_squeeze %dma_start3A_25 : memref<1x79x128xi32, #tpu.memory_space<hbm>> -> memref<79x128xi32, #tpu.memory_space<hbm>>
      tpu.enqueue_dma source(%dma_start3A_26 : memref<79x128xi32, #tpu.memory_space<hbm>>) target(%arg8 : memref<79x128xi32, #tpu.memory_space<vmem>>) target_semaphore(%run_scoped3A : memref<!tpu.dma_semaphore, #tpu.memory_space<semaphore_mem>>)
      %dma_wait3A = arith.constant 0 : i32
      %dma_wait3A_27 = arith.constant 0 : i32
      %dma_wait3A_28 = tpu.memref_slice %arg4[%arg1, %dma_wait3A, %dma_wait3A_27] : memref<16x79x128xi32, #tpu.memory_space<hbm>> -> memref<1x79x128xi32, #tpu.memory_space<hbm>>
      %dma_wait3A_29 = tpu.memref_squeeze %dma_wait3A_28 : memref<1x79x128xi32, #tpu.memory_space<hbm>> -> memref<79x128xi32, #tpu.memory_space<hbm>>
      %dma_wait3A_30 = arith.constant 0 : i32
      %dma_wait3A_31 = arith.constant 0 : i32
      %dma_wait3A_32 = tpu.memref_slice %arg4[%arg1, %dma_wait3A_30, %dma_wait3A_31] : memref<16x79x128xi32, #tpu.memory_space<hbm>> -> memref<1x79x128xi32, #tpu.memory_space<hbm>>
      %dma_wait3A_33 = tpu.memref_squeeze %dma_wait3A_32 : memref<1x79x128xi32, #tpu.memory_space<hbm>> -> memref<79x128xi32, #tpu.memory_space<hbm>>
      tpu.wait_dma2 semaphore(%run_scoped3A : memref<!tpu.dma_semaphore, #tpu.memory_space<semaphore_mem>>) src(%dma_wait3A_33 : memref<79x128xi32, #tpu.memory_space<hbm>>) dst(%arg8 : memref<79x128xi32, #tpu.memory_space<vmem>>)
      tpu.yield
    }) : () -> ()
    %scan3A = arith.constant 0 : i32
    %scan3A_10 = arith.constant 0 : i32
    %scan3A_11 = arith.constant 79 : i32
    %scan3A_12 = arith.addi %scan3A_10, %scan3A_11 : i32
    %scan3A_13 = arith.constant 1 : i32
    scf.for %scan3A_20 = %scan3A_10 to %scan3A_12 step %scan3A_13  : i32 {
      "tpu.region"() ({
        %run_scoped3A = tpu.sem_alloc : memref<!tpu.dma_semaphore, #tpu.memory_space<semaphore_mem>>
        %dma_start3A = arith.constant 0 : i32
        %dma_start3A_21 = tpu.memref_slice %arg7[%scan3A_20, %dma_start3A] : memref<79x128xi32, #tpu.memory_space<vmem>> -> memref<1x128xi32, #tpu.memory_space<vmem>>
        %dma_start3A_22 = tpu.memref_squeeze %dma_start3A_21 : memref<1x128xi32, #tpu.memory_space<vmem>> -> memref<128xi32, #tpu.memory_space<vmem>>
        %dma_start3A_23 = arith.constant 0 : i32
        %dma_start3A_24 = arith.constant 0 : i32
        %dma_start3A_25 = tpu.memref_slice %arg2[%dma_start3A_23, %dma_start3A_24] : memref<20000x128xf32, #tpu.memory_space<hbm>> -> memref<20000x128xf32, #tpu.memory_space<hbm>>
        tpu.enqueue_indirect_dma source(%dma_start3A_25 : memref<20000x128xf32, #tpu.memory_space<hbm>>) target(%arg9 : memref<128x128xf32, #tpu.memory_space<vmem>>) offsets(%dma_start3A_22 : memref<128xi32, #tpu.memory_space<vmem>>) semaphore(%run_scoped3A : memref<!tpu.dma_semaphore, #tpu.memory_space<semaphore_mem>>)
        %dma_wait3A = arith.constant 0 : i32
        %dma_wait3A_26 = tpu.memref_slice %arg7[%scan3A_20, %dma_wait3A] : memref<79x128xi32, #tpu.memory_space<vmem>> -> memref<1x128xi32, #tpu.memory_space<vmem>>
        %dma_wait3A_27 = tpu.memref_squeeze %dma_wait3A_26 : memref<1x128xi32, #tpu.memory_space<vmem>> -> memref<128xi32, #tpu.memory_space<vmem>>
        %dma_wait3A_28 = arith.constant 0 : i32
        %dma_wait3A_29 = arith.constant 0 : i32
        %dma_wait3A_30 = tpu.memref_slice %arg2[%dma_wait3A_28, %dma_wait3A_29] : memref<20000x128xf32, #tpu.memory_space<hbm>> -> memref<20000x128xf32, #tpu.memory_space<hbm>>
        tpu.wait_indirect_dma semaphore(%run_scoped3A : memref<!tpu.dma_semaphore, #tpu.memory_space<semaphore_mem>>) src(%dma_wait3A_30 : memref<20000x128xf32, #tpu.memory_space<hbm>>) dst(%arg9 : memref<128x128xf32, #tpu.memory_space<vmem>>)
        tpu.yield
      }) : () -> ()
      "tpu.region"() ({
        %run_scoped3A = tpu.sem_alloc : memref<!tpu.dma_semaphore, #tpu.memory_space<semaphore_mem>>
        %dma_start3A = arith.constant 0 : i32
        %dma_start3A_21 = tpu.memref_slice %arg8[%scan3A_20, %dma_start3A] : memref<79x128xi32, #tpu.memory_space<vmem>> -> memref<1x128xi32, #tpu.memory_space<vmem>>
        %dma_start3A_22 = tpu.memref_squeeze %dma_start3A_21 : memref<1x128xi32, #tpu.memory_space<vmem>> -> memref<128xi32, #tpu.memory_space<vmem>>
        %dma_start3A_23 = arith.constant 0 : i32
        %dma_start3A_24 = arith.constant 0 : i32
        %dma_start3A_25 = tpu.memref_slice %arg10[%dma_start3A_23, %dma_start3A_24] : memref<10240x128xf32, #tpu.memory_space<vmem_shared>> -> memref<10240x128xf32, #tpu.memory_space<vmem_shared>>
        tpu.enqueue_indirect_dma source(%arg9 : memref<128x128xf32, #tpu.memory_space<vmem>>) target(%dma_start3A_25 : memref<10240x128xf32, #tpu.memory_space<vmem_shared>>) offsets(%dma_start3A_22 : memref<128xi32, #tpu.memory_space<vmem>>) semaphore(%run_scoped3A : memref<!tpu.dma_semaphore, #tpu.memory_space<semaphore_mem>>) {add = true}
        %dma_wait3A = arith.constant 0 : i32
        %dma_wait3A_26 = tpu.memref_slice %arg8[%scan3A_20, %dma_wait3A] : memref<79x128xi32, #tpu.memory_space<vmem>> -> memref<1x128xi32, #tpu.memory_space<vmem>>
        %dma_wait3A_27 = tpu.memref_squeeze %dma_wait3A_26 : memref<1x128xi32, #tpu.memory_space<vmem>> -> memref<128xi32, #tpu.memory_space<vmem>>
        %dma_wait3A_28 = arith.constant 0 : i32
        %dma_wait3A_29 = arith.constant 0 : i32
        %dma_wait3A_30 = tpu.memref_slice %arg10[%dma_wait3A_28, %dma_wait3A_29] : memref<10240x128xf32, #tpu.memory_space<vmem_shared>> -> memref<10240x128xf32, #tpu.memory_space<vmem_shared>>
        tpu.wait_indirect_dma semaphore(%run_scoped3A : memref<!tpu.dma_semaphore, #tpu.memory_space<semaphore_mem>>) src(%arg9 : memref<128x128xf32, #tpu.memory_space<vmem>>) dst(%dma_wait3A_30 : memref<10240x128xf32, #tpu.memory_space<vmem_shared>>)
        tpu.yield
      }) : () -> ()
    }
    %scan3A_14 = arith.constant 79 : i32
    %barrier3A_15 = arith.constant 0 : index
    tpu.barrier barrier_id(%barrier3A_15)
    %mul3A_16 = arith.constant 640 : i32
    %mul3A_17 = arith.muli %arg1, %mul3A_16 : i32
    %mul3A_18 = arith.constant 640 : i32
    %mul3A_19 = arith.muli %arg1, %mul3A_18 : i32
    "tpu.region"() ({
      %run_scoped3A = tpu.sem_alloc : memref<!tpu.dma_semaphore, #tpu.memory_space<semaphore_mem>>
      %dma_start3A = arith.constant 0 : i32
      %dma_start3A_20 = tpu.memref_slice %arg6[%arg0, %mul3A_19, %dma_start3A] : memref<2x10240x128xf32, #tpu.memory_space<hbm>> -> memref<1x640x128xf32, #tpu.memory_space<hbm>>
      %dma_start3A_21 = tpu.memref_squeeze %dma_start3A_20 : memref<1x640x128xf32, #tpu.memory_space<hbm>> -> memref<640x128xf32, #tpu.memory_space<hbm>>
      %dma_start3A_22 = arith.constant 0 : i32
      %dma_start3A_23 = tpu.memref_slice %arg10[%mul3A_17, %dma_start3A_22] : memref<10240x128xf32, #tpu.memory_space<vmem_shared>> -> memref<640x128xf32, #tpu.memory_space<vmem_shared>>
      tpu.enqueue_dma source(%dma_start3A_23 : memref<640x128xf32, #tpu.memory_space<vmem_shared>>) target(%dma_start3A_21 : memref<640x128xf32, #tpu.memory_space<hbm>>) target_semaphore(%run_scoped3A : memref<!tpu.dma_semaphore, #tpu.memory_space<semaphore_mem>>)
      %dma_wait3A = arith.constant 0 : i32
      %dma_wait3A_24 = tpu.memref_slice %arg6[%arg0, %mul3A_19, %dma_wait3A] : memref<2x10240x128xf32, #tpu.memory_space<hbm>> -> memref<1x640x128xf32, #tpu.memory_space<hbm>>
      %dma_wait3A_25 = tpu.memref_squeeze %dma_wait3A_24 : memref<1x640x128xf32, #tpu.memory_space<hbm>> -> memref<640x128xf32, #tpu.memory_space<hbm>>
      %dma_wait3A_26 = arith.constant 0 : i32
      %dma_wait3A_27 = tpu.memref_slice %arg10[%mul3A_17, %dma_wait3A_26] : memref<10240x128xf32, #tpu.memory_space<vmem_shared>> -> memref<640x128xf32, #tpu.memory_space<vmem_shared>>
      tpu.wait_dma2 semaphore(%run_scoped3A : memref<!tpu.dma_semaphore, #tpu.memory_space<semaphore_mem>>) src(%dma_wait3A_27 : memref<640x128xf32, #tpu.memory_space<vmem_shared>>) dst(%dma_wait3A_25 : memref<640x128xf32, #tpu.memory_space<hbm>>)
      tpu.yield
    }) : () -> ()
    return
  }
}

#map = affine_map<(d0, d1) -> (0, 0)>
#map1 = affine_map<(d0, d1) -> (0, 0, 0, 0)>
#map2 = affine_map<(d0, d1) -> (0, 0, 0)>
module attributes {stable_mosaic.version = 14 : i64} {
  func.func @_agg_body(%arg0: i32, %arg1: i32, %arg2: memref<20000x128xf32, #tpu.memory_space<hbm>>, %arg3: memref<2x16x79x128xi32, #tpu.memory_space<hbm>>, %arg4: memref<16x79x128xi32, #tpu.memory_space<hbm>>, %arg5: memref<128x128xf32, #tpu.memory_space<hbm>>, %arg6: memref<2x10240x128xf32, #tpu.memory_space<hbm>>, %arg7: memref<79x128xi32, #tpu.memory_space<vmem>>, %arg8: memref<79x128xi32, #tpu.memory_space<vmem>>, %arg9: memref<128x128xf32, #tpu.memory_space<vmem>>, %arg10: memref<10240x128xf32, #tpu.memory_space<vmem_shared>>) attributes {dimension_semantics = [#tpu.dimension_semantics<core_parallel>, #tpu.dimension_semantics<subcore_parallel>], iteration_bounds = array<i64: 2, 16>, scalar_prefetch = 0 : i64, scratch_operands = 4 : i64, tpu.core_type = #tpu.core_type<sc_vector_subcore>, window_params = [{transform_indices = #map}, {transform_indices = #map1}, {transform_indices = #map2}, {transform_indices = #map}, {transform_indices = #map2}]} {
    %mul3A = arith.constant 640 : i32
    %mul3A_0 = arith.muli %arg1, %mul3A : i32
    %add3A = arith.constant 0 : i32
    %add3A_1 = arith.addi %mul3A_0, %add3A : i32
    "tpu.region"() ({
      %run_scoped3A = tpu.sem_alloc : memref<!tpu.dma_semaphore, #tpu.memory_space<semaphore_mem>>
      %dma_start3A = arith.constant 0 : i32
      %dma_start3A_20 = tpu.memref_slice %arg10[%add3A_1, %dma_start3A] : memref<10240x128xf32, #tpu.memory_space<vmem_shared>> -> memref<128x128xf32, #tpu.memory_space<vmem_shared>>
      tpu.enqueue_dma source(%arg5 : memref<128x128xf32, #tpu.memory_space<hbm>>) target(%dma_start3A_20 : memref<128x128xf32, #tpu.memory_space<vmem_shared>>) target_semaphore(%run_scoped3A : memref<!tpu.dma_semaphore, #tpu.memory_space<semaphore_mem>>)
      %dma_wait3A = arith.constant 0 : i32
      %dma_wait3A_21 = tpu.memref_slice %arg10[%add3A_1, %dma_wait3A] : memref<10240x128xf32, #tpu.memory_space<vmem_shared>> -> memref<128x128xf32, #tpu.memory_space<vmem_shared>>
      tpu.wait_dma2 semaphore(%run_scoped3A : memref<!tpu.dma_semaphore, #tpu.memory_space<semaphore_mem>>) src(%arg5 : memref<128x128xf32, #tpu.memory_space<hbm>>) dst(%dma_wait3A_21 : memref<128x128xf32, #tpu.memory_space<vmem_shared>>)
      tpu.yield
    }) : () -> ()
    %add3A_2 = arith.constant 128 : i32
    %add3A_3 = arith.addi %mul3A_0, %add3A_2 : i32
    "tpu.region"() ({
      %run_scoped3A = tpu.sem_alloc : memref<!tpu.dma_semaphore, #tpu.memory_space<semaphore_mem>>
      %dma_start3A = arith.constant 0 : i32
      %dma_start3A_20 = tpu.memref_slice %arg10[%add3A_3, %dma_start3A] : memref<10240x128xf32, #tpu.memory_space<vmem_shared>> -> memref<128x128xf32, #tpu.memory_space<vmem_shared>>
      tpu.enqueue_dma source(%arg5 : memref<128x128xf32, #tpu.memory_space<hbm>>) target(%dma_start3A_20 : memref<128x128xf32, #tpu.memory_space<vmem_shared>>) target_semaphore(%run_scoped3A : memref<!tpu.dma_semaphore, #tpu.memory_space<semaphore_mem>>)
      %dma_wait3A = arith.constant 0 : i32
      %dma_wait3A_21 = tpu.memref_slice %arg10[%add3A_3, %dma_wait3A] : memref<10240x128xf32, #tpu.memory_space<vmem_shared>> -> memref<128x128xf32, #tpu.memory_space<vmem_shared>>
      tpu.wait_dma2 semaphore(%run_scoped3A : memref<!tpu.dma_semaphore, #tpu.memory_space<semaphore_mem>>) src(%arg5 : memref<128x128xf32, #tpu.memory_space<hbm>>) dst(%dma_wait3A_21 : memref<128x128xf32, #tpu.memory_space<vmem_shared>>)
      tpu.yield
    }) : () -> ()
    %add3A_4 = arith.constant 256 : i32
    %add3A_5 = arith.addi %mul3A_0, %add3A_4 : i32
    "tpu.region"() ({
      %run_scoped3A = tpu.sem_alloc : memref<!tpu.dma_semaphore, #tpu.memory_space<semaphore_mem>>
      %dma_start3A = arith.constant 0 : i32
      %dma_start3A_20 = tpu.memref_slice %arg10[%add3A_5, %dma_start3A] : memref<10240x128xf32, #tpu.memory_space<vmem_shared>> -> memref<128x128xf32, #tpu.memory_space<vmem_shared>>
      tpu.enqueue_dma source(%arg5 : memref<128x128xf32, #tpu.memory_space<hbm>>) target(%dma_start3A_20 : memref<128x128xf32, #tpu.memory_space<vmem_shared>>) target_semaphore(%run_scoped3A : memref<!tpu.dma_semaphore, #tpu.memory_space<semaphore_mem>>)
      %dma_wait3A = arith.constant 0 : i32
      %dma_wait3A_21 = tpu.memref_slice %arg10[%add3A_5, %dma_wait3A] : memref<10240x128xf32, #tpu.memory_space<vmem_shared>> -> memref<128x128xf32, #tpu.memory_space<vmem_shared>>
      tpu.wait_dma2 semaphore(%run_scoped3A : memref<!tpu.dma_semaphore, #tpu.memory_space<semaphore_mem>>) src(%arg5 : memref<128x128xf32, #tpu.memory_space<hbm>>) dst(%dma_wait3A_21 : memref<128x128xf32, #tpu.memory_space<vmem_shared>>)
      tpu.yield
    }) : () -> ()
    %add3A_6 = arith.constant 384 : i32
    %add3A_7 = arith.addi %mul3A_0, %add3A_6 : i32
    "tpu.region"() ({
      %run_scoped3A = tpu.sem_alloc : memref<!tpu.dma_semaphore, #tpu.memory_space<semaphore_mem>>
      %dma_start3A = arith.constant 0 : i32
      %dma_start3A_20 = tpu.memref_slice %arg10[%add3A_7, %dma_start3A] : memref<10240x128xf32, #tpu.memory_space<vmem_shared>> -> memref<128x128xf32, #tpu.memory_space<vmem_shared>>
      tpu.enqueue_dma source(%arg5 : memref<128x128xf32, #tpu.memory_space<hbm>>) target(%dma_start3A_20 : memref<128x128xf32, #tpu.memory_space<vmem_shared>>) target_semaphore(%run_scoped3A : memref<!tpu.dma_semaphore, #tpu.memory_space<semaphore_mem>>)
      %dma_wait3A = arith.constant 0 : i32
      %dma_wait3A_21 = tpu.memref_slice %arg10[%add3A_7, %dma_wait3A] : memref<10240x128xf32, #tpu.memory_space<vmem_shared>> -> memref<128x128xf32, #tpu.memory_space<vmem_shared>>
      tpu.wait_dma2 semaphore(%run_scoped3A : memref<!tpu.dma_semaphore, #tpu.memory_space<semaphore_mem>>) src(%arg5 : memref<128x128xf32, #tpu.memory_space<hbm>>) dst(%dma_wait3A_21 : memref<128x128xf32, #tpu.memory_space<vmem_shared>>)
      tpu.yield
    }) : () -> ()
    %add3A_8 = arith.constant 512 : i32
    %add3A_9 = arith.addi %mul3A_0, %add3A_8 : i32
    "tpu.region"() ({
      %run_scoped3A = tpu.sem_alloc : memref<!tpu.dma_semaphore, #tpu.memory_space<semaphore_mem>>
      %dma_start3A = arith.constant 0 : i32
      %dma_start3A_20 = tpu.memref_slice %arg10[%add3A_9, %dma_start3A] : memref<10240x128xf32, #tpu.memory_space<vmem_shared>> -> memref<128x128xf32, #tpu.memory_space<vmem_shared>>
      tpu.enqueue_dma source(%arg5 : memref<128x128xf32, #tpu.memory_space<hbm>>) target(%dma_start3A_20 : memref<128x128xf32, #tpu.memory_space<vmem_shared>>) target_semaphore(%run_scoped3A : memref<!tpu.dma_semaphore, #tpu.memory_space<semaphore_mem>>)
      %dma_wait3A = arith.constant 0 : i32
      %dma_wait3A_21 = tpu.memref_slice %arg10[%add3A_9, %dma_wait3A] : memref<10240x128xf32, #tpu.memory_space<vmem_shared>> -> memref<128x128xf32, #tpu.memory_space<vmem_shared>>
      tpu.wait_dma2 semaphore(%run_scoped3A : memref<!tpu.dma_semaphore, #tpu.memory_space<semaphore_mem>>) src(%arg5 : memref<128x128xf32, #tpu.memory_space<hbm>>) dst(%dma_wait3A_21 : memref<128x128xf32, #tpu.memory_space<vmem_shared>>)
      tpu.yield
    }) : () -> ()
    %barrier3A = arith.constant 0 : index
    tpu.barrier barrier_id(%barrier3A)
    "tpu.region"() ({
      %run_scoped3A = tpu.sem_alloc : memref<!tpu.dma_semaphore, #tpu.memory_space<semaphore_mem>>
      %dma_start3A = arith.constant 0 : i32
      %dma_start3A_20 = arith.constant 0 : i32
      %dma_start3A_21 = tpu.memref_slice %arg3[%arg0, %arg1, %dma_start3A, %dma_start3A_20] : memref<2x16x79x128xi32, #tpu.memory_space<hbm>> -> memref<1x1x79x128xi32, #tpu.memory_space<hbm>>
      %dma_start3A_22 = tpu.memref_squeeze %dma_start3A_21 : memref<1x1x79x128xi32, #tpu.memory_space<hbm>> -> memref<79x128xi32, #tpu.memory_space<hbm>>
      %dma_start3A_23 = arith.constant 0 : i32
      %dma_start3A_24 = arith.constant 0 : i32
      %dma_start3A_25 = tpu.memref_slice %arg3[%arg0, %arg1, %dma_start3A_23, %dma_start3A_24] : memref<2x16x79x128xi32, #tpu.memory_space<hbm>> -> memref<1x1x79x128xi32, #tpu.memory_space<hbm>>
      %dma_start3A_26 = tpu.memref_squeeze %dma_start3A_25 : memref<1x1x79x128xi32, #tpu.memory_space<hbm>> -> memref<79x128xi32, #tpu.memory_space<hbm>>
      tpu.enqueue_dma source(%dma_start3A_26 : memref<79x128xi32, #tpu.memory_space<hbm>>) target(%arg7 : memref<79x128xi32, #tpu.memory_space<vmem>>) target_semaphore(%run_scoped3A : memref<!tpu.dma_semaphore, #tpu.memory_space<semaphore_mem>>)
      %dma_wait3A = arith.constant 0 : i32
      %dma_wait3A_27 = arith.constant 0 : i32
      %dma_wait3A_28 = tpu.memref_slice %arg3[%arg0, %arg1, %dma_wait3A, %dma_wait3A_27] : memref<2x16x79x128xi32, #tpu.memory_space<hbm>> -> memref<1x1x79x128xi32, #tpu.memory_space<hbm>>
      %dma_wait3A_29 = tpu.memref_squeeze %dma_wait3A_28 : memref<1x1x79x128xi32, #tpu.memory_space<hbm>> -> memref<79x128xi32, #tpu.memory_space<hbm>>
      %dma_wait3A_30 = arith.constant 0 : i32
      %dma_wait3A_31 = arith.constant 0 : i32
      %dma_wait3A_32 = tpu.memref_slice %arg3[%arg0, %arg1, %dma_wait3A_30, %dma_wait3A_31] : memref<2x16x79x128xi32, #tpu.memory_space<hbm>> -> memref<1x1x79x128xi32, #tpu.memory_space<hbm>>
      %dma_wait3A_33 = tpu.memref_squeeze %dma_wait3A_32 : memref<1x1x79x128xi32, #tpu.memory_space<hbm>> -> memref<79x128xi32, #tpu.memory_space<hbm>>
      tpu.wait_dma2 semaphore(%run_scoped3A : memref<!tpu.dma_semaphore, #tpu.memory_space<semaphore_mem>>) src(%dma_wait3A_33 : memref<79x128xi32, #tpu.memory_space<hbm>>) dst(%arg7 : memref<79x128xi32, #tpu.memory_space<vmem>>)
      tpu.yield
    }) : () -> ()
    "tpu.region"() ({
      %run_scoped3A = tpu.sem_alloc : memref<!tpu.dma_semaphore, #tpu.memory_space<semaphore_mem>>
      %dma_start3A = arith.constant 0 : i32
      %dma_start3A_20 = arith.constant 0 : i32
      %dma_start3A_21 = tpu.memref_slice %arg4[%arg1, %dma_start3A, %dma_start3A_20] : memref<16x79x128xi32, #tpu.memory_space<hbm>> -> memref<1x79x128xi32, #tpu.memory_space<hbm>>
      %dma_start3A_22 = tpu.memref_squeeze %dma_start3A_21 : memref<1x79x128xi32, #tpu.memory_space<hbm>> -> memref<79x128xi32, #tpu.memory_space<hbm>>
      %dma_start3A_23 = arith.constant 0 : i32
      %dma_start3A_24 = arith.constant 0 : i32
      %dma_start3A_25 = tpu.memref_slice %arg4[%arg1, %dma_start3A_23, %dma_start3A_24] : memref<16x79x128xi32, #tpu.memory_space<hbm>> -> memref<1x79x128xi32, #tpu.memory_space<hbm>>
      %dma_start3A_26 = tpu.memref_squeeze %dma_start3A_25 : memref<1x79x128xi32, #tpu.memory_space<hbm>> -> memref<79x128xi32, #tpu.memory_space<hbm>>
      tpu.enqueue_dma source(%dma_start3A_26 : memref<79x128xi32, #tpu.memory_space<hbm>>) target(%arg8 : memref<79x128xi32, #tpu.memory_space<vmem>>) target_semaphore(%run_scoped3A : memref<!tpu.dma_semaphore, #tpu.memory_space<semaphore_mem>>)
      %dma_wait3A = arith.constant 0 : i32
      %dma_wait3A_27 = arith.constant 0 : i32
      %dma_wait3A_28 = tpu.memref_slice %arg4[%arg1, %dma_wait3A, %dma_wait3A_27] : memref<16x79x128xi32, #tpu.memory_space<hbm>> -> memref<1x79x128xi32, #tpu.memory_space<hbm>>
      %dma_wait3A_29 = tpu.memref_squeeze %dma_wait3A_28 : memref<1x79x128xi32, #tpu.memory_space<hbm>> -> memref<79x128xi32, #tpu.memory_space<hbm>>
      %dma_wait3A_30 = arith.constant 0 : i32
      %dma_wait3A_31 = arith.constant 0 : i32
      %dma_wait3A_32 = tpu.memref_slice %arg4[%arg1, %dma_wait3A_30, %dma_wait3A_31] : memref<16x79x128xi32, #tpu.memory_space<hbm>> -> memref<1x79x128xi32, #tpu.memory_space<hbm>>
      %dma_wait3A_33 = tpu.memref_squeeze %dma_wait3A_32 : memref<1x79x128xi32, #tpu.memory_space<hbm>> -> memref<79x128xi32, #tpu.memory_space<hbm>>
      tpu.wait_dma2 semaphore(%run_scoped3A : memref<!tpu.dma_semaphore, #tpu.memory_space<semaphore_mem>>) src(%dma_wait3A_33 : memref<79x128xi32, #tpu.memory_space<hbm>>) dst(%arg8 : memref<79x128xi32, #tpu.memory_space<vmem>>)
      tpu.yield
    }) : () -> ()
    %scan3A = arith.constant 0 : i32
    %scan3A_10 = arith.constant 0 : i32
    %scan3A_11 = arith.constant 79 : i32
    %scan3A_12 = arith.addi %scan3A_10, %scan3A_11 : i32
    %scan3A_13 = arith.constant 1 : i32
    scf.for %scan3A_20 = %scan3A_10 to %scan3A_12 step %scan3A_13  : i32 {
      "tpu.region"() ({
        %run_scoped3A = tpu.sem_alloc : memref<!tpu.dma_semaphore, #tpu.memory_space<semaphore_mem>>
        %dma_start3A = arith.constant 0 : i32
        %dma_start3A_21 = tpu.memref_slice %arg7[%scan3A_20, %dma_start3A] : memref<79x128xi32, #tpu.memory_space<vmem>> -> memref<1x128xi32, #tpu.memory_space<vmem>>
        %dma_start3A_22 = tpu.memref_squeeze %dma_start3A_21 : memref<1x128xi32, #tpu.memory_space<vmem>> -> memref<128xi32, #tpu.memory_space<vmem>>
        %dma_start3A_23 = arith.constant 0 : i32
        %dma_start3A_24 = arith.constant 0 : i32
        %dma_start3A_25 = tpu.memref_slice %arg2[%dma_start3A_23, %dma_start3A_24] : memref<20000x128xf32, #tpu.memory_space<hbm>> -> memref<20000x128xf32, #tpu.memory_space<hbm>>
        tpu.enqueue_indirect_dma source(%dma_start3A_25 : memref<20000x128xf32, #tpu.memory_space<hbm>>) target(%arg9 : memref<128x128xf32, #tpu.memory_space<vmem>>) offsets(%dma_start3A_22 : memref<128xi32, #tpu.memory_space<vmem>>) semaphore(%run_scoped3A : memref<!tpu.dma_semaphore, #tpu.memory_space<semaphore_mem>>)
        %dma_wait3A = arith.constant 0 : i32
        %dma_wait3A_26 = tpu.memref_slice %arg7[%scan3A_20, %dma_wait3A] : memref<79x128xi32, #tpu.memory_space<vmem>> -> memref<1x128xi32, #tpu.memory_space<vmem>>
        %dma_wait3A_27 = tpu.memref_squeeze %dma_wait3A_26 : memref<1x128xi32, #tpu.memory_space<vmem>> -> memref<128xi32, #tpu.memory_space<vmem>>
        %dma_wait3A_28 = arith.constant 0 : i32
        %dma_wait3A_29 = arith.constant 0 : i32
        %dma_wait3A_30 = tpu.memref_slice %arg2[%dma_wait3A_28, %dma_wait3A_29] : memref<20000x128xf32, #tpu.memory_space<hbm>> -> memref<20000x128xf32, #tpu.memory_space<hbm>>
        tpu.wait_indirect_dma semaphore(%run_scoped3A : memref<!tpu.dma_semaphore, #tpu.memory_space<semaphore_mem>>) src(%dma_wait3A_30 : memref<20000x128xf32, #tpu.memory_space<hbm>>) dst(%arg9 : memref<128x128xf32, #tpu.memory_space<vmem>>)
        tpu.yield
      }) : () -> ()
      "tpu.region"() ({
        %run_scoped3A = tpu.sem_alloc : memref<!tpu.dma_semaphore, #tpu.memory_space<semaphore_mem>>
        %dma_start3A = arith.constant 0 : i32
        %dma_start3A_21 = tpu.memref_slice %arg8[%scan3A_20, %dma_start3A] : memref<79x128xi32, #tpu.memory_space<vmem>> -> memref<1x128xi32, #tpu.memory_space<vmem>>
        %dma_start3A_22 = tpu.memref_squeeze %dma_start3A_21 : memref<1x128xi32, #tpu.memory_space<vmem>> -> memref<128xi32, #tpu.memory_space<vmem>>
        %dma_start3A_23 = arith.constant 0 : i32
        %dma_start3A_24 = arith.constant 0 : i32
        %dma_start3A_25 = tpu.memref_slice %arg10[%dma_start3A_23, %dma_start3A_24] : memref<10240x128xf32, #tpu.memory_space<vmem_shared>> -> memref<10240x128xf32, #tpu.memory_space<vmem_shared>>
        tpu.enqueue_indirect_dma source(%arg9 : memref<128x128xf32, #tpu.memory_space<vmem>>) target(%dma_start3A_25 : memref<10240x128xf32, #tpu.memory_space<vmem_shared>>) offsets(%dma_start3A_22 : memref<128xi32, #tpu.memory_space<vmem>>) semaphore(%run_scoped3A : memref<!tpu.dma_semaphore, #tpu.memory_space<semaphore_mem>>) {add = true}
        %dma_wait3A = arith.constant 0 : i32
        %dma_wait3A_26 = tpu.memref_slice %arg8[%scan3A_20, %dma_wait3A] : memref<79x128xi32, #tpu.memory_space<vmem>> -> memref<1x128xi32, #tpu.memory_space<vmem>>
        %dma_wait3A_27 = tpu.memref_squeeze %dma_wait3A_26 : memref<1x128xi32, #tpu.memory_space<vmem>> -> memref<128xi32, #tpu.memory_space<vmem>>
        %dma_wait3A_28 = arith.constant 0 : i32
        %dma_wait3A_29 = arith.constant 0 : i32
        %dma_wait3A_30 = tpu.memref_slice %arg10[%dma_wait3A_28, %dma_wait3A_29] : memref<10240x128xf32, #tpu.memory_space<vmem_shared>> -> memref<10240x128xf32, #tpu.memory_space<vmem_shared>>
        tpu.wait_indirect_dma semaphore(%run_scoped3A : memref<!tpu.dma_semaphore, #tpu.memory_space<semaphore_mem>>) src(%arg9 : memref<128x128xf32, #tpu.memory_space<vmem>>) dst(%dma_wait3A_30 : memref<10240x128xf32, #tpu.memory_space<vmem_shared>>)
        tpu.yield
      }) : () -> ()
    }
    %scan3A_14 = arith.constant 79 : i32
    %barrier3A_15 = arith.constant 0 : index
    tpu.barrier barrier_id(%barrier3A_15)
    %mul3A_16 = arith.constant 640 : i32
    %mul3A_17 = arith.muli %arg1, %mul3A_16 : i32
    %mul3A_18 = arith.constant 640 : i32
    %mul3A_19 = arith.muli %arg1, %mul3A_18 : i32
    "tpu.region"() ({
      %run_scoped3A = tpu.sem_alloc : memref<!tpu.dma_semaphore, #tpu.memory_space<semaphore_mem>>
      %dma_start3A = arith.constant 0 : i32
      %dma_start3A_20 = tpu.memref_slice %arg6[%arg0, %mul3A_19, %dma_start3A] : memref<2x10240x128xf32, #tpu.memory_space<hbm>> -> memref<1x640x128xf32, #tpu.memory_space<hbm>>
      %dma_start3A_21 = tpu.memref_squeeze %dma_start3A_20 : memref<1x640x128xf32, #tpu.memory_space<hbm>> -> memref<640x128xf32, #tpu.memory_space<hbm>>
      %dma_start3A_22 = arith.constant 0 : i32
      %dma_start3A_23 = tpu.memref_slice %arg10[%mul3A_17, %dma_start3A_22] : memref<10240x128xf32, #tpu.memory_space<vmem_shared>> -> memref<640x128xf32, #tpu.memory_space<vmem_shared>>
      tpu.enqueue_dma source(%dma_start3A_23 : memref<640x128xf32, #tpu.memory_space<vmem_shared>>) target(%dma_start3A_21 : memref<640x128xf32, #tpu.memory_space<hbm>>) target_semaphore(%run_scoped3A : memref<!tpu.dma_semaphore, #tpu.memory_space<semaphore_mem>>)
      %dma_wait3A = arith.constant 0 : i32
      %dma_wait3A_24 = tpu.memref_slice %arg6[%arg0, %mul3A_19, %dma_wait3A] : memref<2x10240x128xf32, #tpu.memory_space<hbm>> -> memref<1x640x128xf32, #tpu.memory_space<hbm>>
      %dma_wait3A_25 = tpu.memref_squeeze %dma_wait3A_24 : memref<1x640x128xf32, #tpu.memory_space<hbm>> -> memref<640x128xf32, #tpu.memory_space<hbm>>
      %dma_wait3A_26 = arith.constant 0 : i32
      %dma_wait3A_27 = tpu.memref_slice %arg10[%mul3A_17, %dma_wait3A_26] : memref<10240x128xf32, #tpu.memory_space<vmem_shared>> -> memref<640x128xf32, #tpu.memory_space<vmem_shared>>
      tpu.wait_dma2 semaphore(%run_scoped3A : memref<!tpu.dma_semaphore, #tpu.memory_space<semaphore_mem>>) src(%dma_wait3A_27 : memref<640x128xf32, #tpu.memory_space<vmem_shared>>) dst(%dma_wait3A_25 : memref<640x128xf32, #tpu.memory_space<hbm>>)
      tpu.yield
    }) : () -> ()
    return
  }
}

module attributes {stable_mosaic.version = 14 : i64} {
  func.func @_mm_scale_body(%arg0: i32, %arg1: i32, %arg2: memref<400x256xf32, #tpu.memory_space<vmem>>, %arg3: memref<256x128xf32, #tpu.memory_space<vmem>>, %arg4: memref<400x128xf32, #tpu.memory_space<vmem>>, %arg5: memref<400x128xf32, #tpu.memory_space<vmem>>) attributes {dimension_semantics = [#tpu.dimension_semantics<arbitrary>, #tpu.dimension_semantics<arbitrary>], iteration_bounds = array<i64: 25, 2>, scalar_prefetch = 0 : i64, scratch_operands = 0 : i64, tpu.core_type = #tpu.core_type<tc>, window_params = [{transform_indices = @transform_0, window_bounds = array<i64: 400, 256>}, {transform_indices = @transform_1, window_bounds = array<i64: 256, 128>}, {transform_indices = @transform_2, window_bounds = array<i64: 400, 128>}, {transform_indices = @transform_3, window_bounds = array<i64: 400, 128>}]} {
    %get3A = arith.constant 0 : index
    %get3A_0 = arith.constant 0 : index
    %get3A_1 = vector.load %arg4[%get3A, %get3A_0] : memref<400x128xf32, #tpu.memory_space<vmem>>, vector<400x1xf32>
    %add3A = arith.constant 1.000000e+00 : f32
    %add3A_2 = vector.broadcast %add3A : f32 to vector<400x1xf32>
    %add3A_3 = arith.addf %get3A_1, %add3A_2 : vector<400x1xf32>
    %rsqrt3A = math.rsqrt %add3A_3 : vector<400x1xf32>
    %get3A_4 = arith.constant 0 : index
    %get3A_5 = arith.constant 0 : index
    %get3A_6 = vector.load %arg2[%get3A_4, %get3A_5] : memref<400x256xf32, #tpu.memory_space<vmem>>, vector<400x256xf32>
    %get3A_7 = arith.constant 0 : index
    %get3A_8 = arith.constant 0 : index
    %get3A_9 = vector.load %arg3[%get3A_7, %get3A_8] : memref<256x128xf32, #tpu.memory_space<vmem>>, vector<256x128xf32>
    %dot_general3A = arith.constant dense<0.000000e+00> : vector<400x128xf32>
    %dot_general3A_10 = tpu.matmul %get3A_6, %get3A_9, %dot_general3A {dimension_numbers = #tpu.dot_dimension_numbers<[1], [0], [0], [1], [0, 0, 1, 1], [], []>, transpose_lhs_hint = false} : vector<400x256xf32>, vector<256x128xf32>, vector<400x128xf32> -> vector<400x128xf32>
    %mul3A = vector.broadcast %rsqrt3A : vector<400x1xf32> to vector<400x128xf32>
    %mul3A_11 = arith.mulf %dot_general3A_10, %mul3A : vector<400x128xf32>
    %swap3A = arith.constant 0 : index
    %swap3A_12 = arith.constant 0 : index
    %swap3A_13 = vector.load %arg5[%swap3A, %swap3A_12] : memref<400x128xf32, #tpu.memory_space<vmem>>, vector<400x128xf32>
    tpu.vector_store %arg5[%swap3A, %swap3A_12], %mul3A_11 {strides = array<i32>} : memref<400x128xf32, #tpu.memory_space<vmem>>, vector<400x128xf32>,
    return
  }
  func.func @transform_0(%arg0: i32, %arg1: i32) -> (i32, i32) {
    %c0_i32 = arith.constant 0 : i32
    %c0_i32_0 = arith.constant 0 : i32
    return %arg0, %c0_i32 : i32, i32
  }
  func.func @transform_1(%arg0: i32, %arg1: i32) -> (i32, i32) {
    %c0_i32 = arith.constant 0 : i32
    %c0_i32_0 = arith.constant 0 : i32
    return %c0_i32, %arg1 : i32, i32
  }
  func.func @transform_2(%arg0: i32, %arg1: i32) -> (i32, i32) {
    %c0_i32 = arith.constant 0 : i32
    %c0_i32_0 = arith.constant 0 : i32
    return %arg0, %c0_i32 : i32, i32
  }
  func.func @transform_3(%arg0: i32, %arg1: i32) -> (i32, i32) {
    %mul3A = arith.constant 25 : i32
    %mul3A_0 = arith.muli %arg1, %mul3A : i32
    %add3A = arith.addi %mul3A_0, %arg0 : i32
    %c0_i32 = arith.constant 0 : i32
    %c0_i32_1 = arith.constant 0 : i32
    return %add3A, %c0_i32 : i32, i32
  }
}

module attributes {stable_mosaic.version = 14 : i64} {
  func.func @_layer2_body(%arg0: i32, %arg1: i32, %arg2: memref<1x400x128xf32, #tpu.memory_space<vmem>>, %arg3: memref<1x400x128xf32, #tpu.memory_space<vmem>>, %arg4: memref<400x128xf32, #tpu.memory_space<vmem>>, %arg5: memref<400x128xf32, #tpu.memory_space<vmem>>, %arg6: memref<400x128xf32, #tpu.memory_space<vmem>>, %arg7: memref<1x256xf32, #tpu.memory_space<vmem>>, %arg8: memref<256x128xf32, #tpu.memory_space<vmem>>, %arg9: memref<400x128xf32, #tpu.memory_space<vmem>>) attributes {dimension_semantics = [#tpu.dimension_semantics<arbitrary>, #tpu.dimension_semantics<arbitrary>], iteration_bounds = array<i64: 25, 2>, scalar_prefetch = 0 : i64, scratch_operands = 0 : i64, tpu.core_type = #tpu.core_type<tc>, window_params = [{transform_indices = @transform_0, window_bounds = array<i64: 1, 400, 128>}, {transform_indices = @transform_1, window_bounds = array<i64: 1, 400, 128>}, {transform_indices = @transform_2, window_bounds = array<i64: 400, 128>}, {transform_indices = @transform_3, window_bounds = array<i64: 400, 128>}, {transform_indices = @transform_4, window_bounds = array<i64: 400, 128>}, {pipeline_mode = #tpu.pipeline_mode<synchronous>, transform_indices = @transform_5, window_bounds = array<i64: 1, 256>}, {transform_indices = @transform_6, window_bounds = array<i64: 256, 128>}, {transform_indices = @transform_7, window_bounds = array<i64: 400, 128>}]} {
    %get3A = arith.constant 0 : index
    %get3A_0 = arith.constant 0 : index
    %get3A_1 = vector.load %arg6[%get3A, %get3A_0] : memref<400x128xf32, #tpu.memory_space<vmem>>, vector<400x1xf32>
    %add3A = arith.constant 1.000000e+00 : f32
    %add3A_2 = vector.broadcast %add3A : f32 to vector<400x1xf32>
    %add3A_3 = arith.addf %get3A_1, %add3A_2 : vector<400x1xf32>
    %rsqrt3A = math.rsqrt %add3A_3 : vector<400x1xf32>
    %get3A_4 = arith.constant 0 : index
    %get3A_5 = arith.constant 0 : index
    %get3A_6 = arith.constant 0 : index
    %get3A_7 = vector.load %arg2[%get3A_4, %get3A_5, %get3A_6] : memref<1x400x128xf32, #tpu.memory_space<vmem>>, vector<1x400x128xf32>
    %get3A_8 = vector.shape_cast %get3A_7 : vector<1x400x128xf32> to vector<400x128xf32>
    %get3A_9 = arith.constant 0 : index
    %get3A_10 = arith.constant 0 : index
    %get3A_11 = vector.load %arg4[%get3A_9, %get3A_10] : memref<400x128xf32, #tpu.memory_space<vmem>>, vector<400x128xf32>
    %add3A_12 = arith.addf %get3A_8, %get3A_11 : vector<400x128xf32>
    %get3A_13 = arith.constant 0 : index
    %get3A_14 = arith.constant 0 : index
    %get3A_15 = arith.constant 0 : index
    %get3A_16 = vector.load %arg3[%get3A_13, %get3A_14, %get3A_15] : memref<1x400x128xf32, #tpu.memory_space<vmem>>, vector<1x400x128xf32>
    %get3A_17 = vector.shape_cast %get3A_16 : vector<1x400x128xf32> to vector<400x128xf32>
    %get3A_18 = arith.constant 0 : index
    %get3A_19 = arith.constant 0 : index
    %get3A_20 = vector.load %arg5[%get3A_18, %get3A_19] : memref<400x128xf32, #tpu.memory_space<vmem>>, vector<400x128xf32>
    %add3A_21 = arith.addf %get3A_17, %get3A_20 : vector<400x128xf32>
    %concatenate3A = tpu.concatenate %add3A_12, %add3A_21 in 1 : vector<400x128xf32>, vector<400x128xf32> -> vector<400x256xf32>
    %mul3A = vector.broadcast %rsqrt3A : vector<400x1xf32> to vector<400x256xf32>
    %mul3A_22 = arith.mulf %concatenate3A, %mul3A : vector<400x256xf32>
    %get3A_23 = arith.constant 0 : index
    %get3A_24 = arith.constant 0 : index
    %get3A_25 = vector.load %arg7[%get3A_23, %get3A_24] : memref<1x256xf32, #tpu.memory_space<vmem>>, vector<1x256xf32>
    %add3A_26 = vector.broadcast %get3A_25 : vector<1x256xf32> to vector<400x256xf32>
    %add3A_27 = arith.addf %mul3A_22, %add3A_26 : vector<400x256xf32>
    %max3A = arith.constant 0.000000e+00 : f32
    %max3A_28 = vector.broadcast %max3A : f32 to vector<400x256xf32>
    %max3A_29 = arith.maximumf %add3A_27, %max3A_28 : vector<400x256xf32>
    %get3A_30 = arith.constant 0 : index
    %get3A_31 = arith.constant 0 : index
    %get3A_32 = vector.load %arg8[%get3A_30, %get3A_31] : memref<256x128xf32, #tpu.memory_space<vmem>>, vector<256x128xf32>
    %dot_general3A = arith.constant dense<0.000000e+00> : vector<400x128xf32>
    %dot_general3A_33 = tpu.matmul %max3A_29, %get3A_32, %dot_general3A {dimension_numbers = #tpu.dot_dimension_numbers<[1], [0], [0], [1], [0, 0, 1, 1], [], []>, transpose_lhs_hint = false} : vector<400x256xf32>, vector<256x128xf32>, vector<400x128xf32> -> vector<400x128xf32>
    %mul3A_34 = vector.broadcast %rsqrt3A : vector<400x1xf32> to vector<400x128xf32>
    %mul3A_35 = arith.mulf %dot_general3A_33, %mul3A_34 : vector<400x128xf32>
    %swap3A = arith.constant 0 : index
    %swap3A_36 = arith.constant 0 : index
    %swap3A_37 = vector.load %arg9[%swap3A, %swap3A_36] : memref<400x128xf32, #tpu.memory_space<vmem>>, vector<400x128xf32>
    tpu.vector_store %arg9[%swap3A, %swap3A_36], %mul3A_35 {strides = array<i32>} : memref<400x128xf32, #tpu.memory_space<vmem>>, vector<400x128xf32>,
    return
  }
  func.func @transform_0(%arg0: i32, %arg1: i32) -> (i32, i32, i32) {
    %c0_i32 = arith.constant 0 : i32
    %c0_i32_0 = arith.constant 0 : i32
    %c0_i32_1 = arith.constant 0 : i32
    return %c0_i32, %arg0, %c0_i32_0 : i32, i32, i32
  }
  func.func @transform_1(%arg0: i32, %arg1: i32) -> (i32, i32, i32) {
    %c1_i32 = arith.constant 1 : i32
    %c0_i32 = arith.constant 0 : i32
    %c0_i32_0 = arith.constant 0 : i32
    return %c1_i32, %arg0, %c0_i32 : i32, i32, i32
  }
  func.func @transform_2(%arg0: i32, %arg1: i32) -> (i32, i32) {
    %c0_i32 = arith.constant 0 : i32
    %c0_i32_0 = arith.constant 0 : i32
    return %arg0, %c0_i32 : i32, i32
  }
  func.func @transform_3(%arg0: i32, %arg1: i32) -> (i32, i32) {
    %add3A = arith.constant 25 : i32
    %add3A_0 = arith.addi %add3A, %arg0 : i32
    %c0_i32 = arith.constant 0 : i32
    %c0_i32_1 = arith.constant 0 : i32
    return %add3A_0, %c0_i32 : i32, i32
  }
  func.func @transform_4(%arg0: i32, %arg1: i32) -> (i32, i32) {
    %c0_i32 = arith.constant 0 : i32
    %c0_i32_0 = arith.constant 0 : i32
    return %arg0, %c0_i32 : i32, i32
  }
  func.func @transform_5(%arg0: i32, %arg1: i32) -> (i32, i32) {
    %c0_i32 = arith.constant 0 : i32
    %c0_i32_0 = arith.constant 0 : i32
    %c0_i32_1 = arith.constant 0 : i32
    return %c0_i32, %c0_i32_0 : i32, i32
  }
  func.func @transform_6(%arg0: i32, %arg1: i32) -> (i32, i32) {
    %c0_i32 = arith.constant 0 : i32
    %c0_i32_0 = arith.constant 0 : i32
    return %c0_i32, %arg1 : i32, i32
  }
  func.func @transform_7(%arg0: i32, %arg1: i32) -> (i32, i32) {
    %mul3A = arith.constant 25 : i32
    %mul3A_0 = arith.muli %arg1, %mul3A : i32
    %add3A = arith.addi %mul3A_0, %arg0 : i32
    %c0_i32 = arith.constant 0 : i32
    %c0_i32_1 = arith.constant 0 : i32
    return %add3A, %c0_i32 : i32, i32
  }
}

module attributes {stable_mosaic.version = 14 : i64} {
  func.func @_final_body(%arg0: i32, %arg1: memref<1x400x128xf32, #tpu.memory_space<vmem>>, %arg2: memref<1x400x128xf32, #tpu.memory_space<vmem>>, %arg3: memref<400x128xf32, #tpu.memory_space<vmem>>, %arg4: memref<400x128xf32, #tpu.memory_space<vmem>>, %arg5: memref<400x128xf32, #tpu.memory_space<vmem>>, %arg6: memref<1x256xf32, #tpu.memory_space<vmem>>, %arg7: memref<400x256xf32, #tpu.memory_space<vmem>>) attributes {dimension_semantics = [#tpu.dimension_semantics<arbitrary>], iteration_bounds = array<i64: 25>, scalar_prefetch = 0 : i64, scratch_operands = 0 : i64, tpu.core_type = #tpu.core_type<tc>, window_params = [{transform_indices = @transform_0, window_bounds = array<i64: 1, 400, 128>}, {transform_indices = @transform_1, window_bounds = array<i64: 1, 400, 128>}, {transform_indices = @transform_2, window_bounds = array<i64: 400, 128>}, {transform_indices = @transform_3, window_bounds = array<i64: 400, 128>}, {transform_indices = @transform_4, window_bounds = array<i64: 400, 128>}, {pipeline_mode = #tpu.pipeline_mode<synchronous>, transform_indices = @transform_5, window_bounds = array<i64: 1, 256>}, {transform_indices = @transform_6, window_bounds = array<i64: 400, 256>}]} {
    %get3A = arith.constant 0 : index
    %get3A_0 = arith.constant 0 : index
    %get3A_1 = vector.load %arg5[%get3A, %get3A_0] : memref<400x128xf32, #tpu.memory_space<vmem>>, vector<400x1xf32>
    %add3A = arith.constant 1.000000e+00 : f32
    %add3A_2 = vector.broadcast %add3A : f32 to vector<400x1xf32>
    %add3A_3 = arith.addf %get3A_1, %add3A_2 : vector<400x1xf32>
    %rsqrt3A = math.rsqrt %add3A_3 : vector<400x1xf32>
    %get3A_4 = arith.constant 0 : index
    %get3A_5 = arith.constant 0 : index
    %get3A_6 = arith.constant 0 : index
    %get3A_7 = vector.load %arg1[%get3A_4, %get3A_5, %get3A_6] : memref<1x400x128xf32, #tpu.memory_space<vmem>>, vector<1x400x128xf32>
    %get3A_8 = vector.shape_cast %get3A_7 : vector<1x400x128xf32> to vector<400x128xf32>
    %get3A_9 = arith.constant 0 : index
    %get3A_10 = arith.constant 0 : index
    %get3A_11 = vector.load %arg3[%get3A_9, %get3A_10] : memref<400x128xf32, #tpu.memory_space<vmem>>, vector<400x128xf32>
    %add3A_12 = arith.addf %get3A_8, %get3A_11 : vector<400x128xf32>
    %get3A_13 = arith.constant 0 : index
    %get3A_14 = arith.constant 0 : index
    %get3A_15 = arith.constant 0 : index
    %get3A_16 = vector.load %arg2[%get3A_13, %get3A_14, %get3A_15] : memref<1x400x128xf32, #tpu.memory_space<vmem>>, vector<1x400x128xf32>
    %get3A_17 = vector.shape_cast %get3A_16 : vector<1x400x128xf32> to vector<400x128xf32>
    %get3A_18 = arith.constant 0 : index
    %get3A_19 = arith.constant 0 : index
    %get3A_20 = vector.load %arg4[%get3A_18, %get3A_19] : memref<400x128xf32, #tpu.memory_space<vmem>>, vector<400x128xf32>
    %add3A_21 = arith.addf %get3A_17, %get3A_20 : vector<400x128xf32>
    %concatenate3A = tpu.concatenate %add3A_12, %add3A_21 in 1 : vector<400x128xf32>, vector<400x128xf32> -> vector<400x256xf32>
    %mul3A = vector.broadcast %rsqrt3A : vector<400x1xf32> to vector<400x256xf32>
    %mul3A_22 = arith.mulf %concatenate3A, %mul3A : vector<400x256xf32>
    %get3A_23 = arith.constant 0 : index
    %get3A_24 = arith.constant 0 : index
    %get3A_25 = vector.load %arg6[%get3A_23, %get3A_24] : memref<1x256xf32, #tpu.memory_space<vmem>>, vector<1x256xf32>
    %add3A_26 = vector.broadcast %get3A_25 : vector<1x256xf32> to vector<400x256xf32>
    %add3A_27 = arith.addf %mul3A_22, %add3A_26 : vector<400x256xf32>
    %swap3A = arith.constant 0 : index
    %swap3A_28 = arith.constant 0 : index
    %swap3A_29 = vector.load %arg7[%swap3A, %swap3A_28] : memref<400x256xf32, #tpu.memory_space<vmem>>, vector<400x256xf32>
    tpu.vector_store %arg7[%swap3A, %swap3A_28], %add3A_27 {strides = array<i32>} : memref<400x256xf32, #tpu.memory_space<vmem>>, vector<400x256xf32>,
    return
  }
  func.func @transform_0(%arg0: i32) -> (i32, i32, i32) {
    %c0_i32 = arith.constant 0 : i32
    %c0_i32_0 = arith.constant 0 : i32
    %c0_i32_1 = arith.constant 0 : i32
    return %c0_i32, %arg0, %c0_i32_0 : i32, i32, i32
  }
  func.func @transform_1(%arg0: i32) -> (i32, i32, i32) {
    %c1_i32 = arith.constant 1 : i32
    %c0_i32 = arith.constant 0 : i32
    %c0_i32_0 = arith.constant 0 : i32
    return %c1_i32, %arg0, %c0_i32 : i32, i32, i32
  }
  func.func @transform_2(%arg0: i32) -> (i32, i32) {
    %c0_i32 = arith.constant 0 : i32
    %c0_i32_0 = arith.constant 0 : i32
    return %arg0, %c0_i32 : i32, i32
  }
  func.func @transform_3(%arg0: i32) -> (i32, i32) {
    %add3A = arith.constant 25 : i32
    %add3A_0 = arith.addi %add3A, %arg0 : i32
    %c0_i32 = arith.constant 0 : i32
    %c0_i32_1 = arith.constant 0 : i32
    return %add3A_0, %c0_i32 : i32, i32
  }
  func.func @transform_4(%arg0: i32) -> (i32, i32) {
    %c0_i32 = arith.constant 0 : i32
    %c0_i32_0 = arith.constant 0 : i32
    return %arg0, %c0_i32 : i32, i32
  }
  func.func @transform_5(%arg0: i32) -> (i32, i32) {
    %c0_i32 = arith.constant 0 : i32
    %c0_i32_0 = arith.constant 0 : i32
    %c0_i32_1 = arith.constant 0 : i32
    return %c0_i32, %c0_i32_0 : i32, i32
  }
  func.func @transform_6(%arg0: i32) -> (i32, i32) {
    %c0_i32 = arith.constant 0 : i32
    %c0_i32_0 = arith.constant 0 : i32
    return %arg0, %c0_i32 : i32, i32
  }
}

</mosaic_0001>

<sc_bundles>
// kernel: kernel.11.cloned.1.call-start
scs
__scs_entry_jumppad:
0x0: {  	(pc) =	sbr.rel $0x88, $3  }
0x1: {  	(tag) =	ssettag $0x0;
	lr =	simm.s32 $0x1  }
0x2: {  	[smem:$0x3F9B] =	sst lr;
	_ =	strace $0xD0000000  }
0x3: {  	_ = 	snop  }
0x4: {  	_ = 	snop  }
0x5: {  	_ = 	snop  }
0x6: {  	_ = 	snop  }
0x7: {  	_ = 	snop  }
__scs_overlays_trampoline_lowered:
0x8: {  	[smem:$0x3FAA] =	sst s0  }
0x9: {  	[smem:$0x3FAB] =	sst s1  }
0xa: {  	[smem:$0x3FAC] =	sst s2  }
0xb: {  	[smem:$0x3FAD] =	sst s3  }
0xc: {  	[smem:$0x3FAE] =	sst s4  }
0xd: {  	[smem:$0x3FAF] =	sst s5  }
0xe: {  	[smem:$0x3FB0] =	sst s6  }
0xf: {  	[smem:$0x3FB1] =	sst s7  }
0x10: {  	[smem:$0x3FB2] =	sst s8  }
0x11: {  	[smem:$0x3FB3] =	sst s9;
	s0 =	simm.s32 @!p0 $0x0  }
0x12: {  	s1 =	sld [smem:$0x3F99];
	s0 =	simm.s32 @p0 $0x1  }
0x13: {  	[smem:$0x3FB4] =	sst s0;
	s0 =	simm.s32 @!p1 $0x0  }
0x14: {  	s2 =	sld [smem:$0x3F98];
	s0 =	simm.s32 @p1 $0x1  }
0x15: {  	[smem:$0x3FB5] =	sst s0;
	s0 =	simm.s32 @!p2 $0x0  }
0x16: {  	s3 =	sld [smem:$0x3FDB];
	s0 =	simm.s32 @p2 $0x1  }
0x17: {  	s4 =	simm.s32 $0x1BF5;
	[smem:$0x3FB7] =	sst s0  }
0x18: {  	s0 =	sld [smem:$0x3F9A];
	_ =	swait.ge [sflag:s4], $0x0  }
0x19: {  	s7 =	sld [smem:$0x3F9B]  }
0x1a: {  	s8 =	sadd.s32 $0xFFFFE003, lr  }
0x1b: {  	s9 =	sadd.s32 $0xFFFFFEF7, lr;
	s5 =	simm.s32 $0xFFFFFFFF;
	p2 =	slt.u32 s8, $0xFFFFF086  }
0x1c: {  	p1 =	slt.u32 s9, $0xF7A;
	s5 =	simm.s32 @!p2 $0x0  }
0x1d: {  	s5 =	simm.s32 @p1 $0x1;
	p0 =	seq.s32 s7, s2  }
0x1e: {  	s7 =	smul.u32 @!p0 $0xF7A, s2;
	p2 =	seq.s32 @!p0 s5, $0x0  }
0x1f: {  	s9 =	smul.u32 $0xF7A, s1;
	s8 =	simm.s32 @!p0 $0x1BF5;
	p2 =	por !p2, p0  }
0x20: {  	[sflag:s8] =	ssyncset.s32 @!p0 $0xFFFFF086;
	s6 =	sadd.s32 @!p0 s3, s7;
	s7 =	simm.s32 @!p0 $0x108  }
0x21: {  	s3 =	sadd.s32 s3, s9;
	s6 =	sadd.s32 @!p0 $0x88, s6;
	s7 =	simm.s32 @p2 $0x1082  }
0x22: {  	[simem:s7], [sflag:s8] =	dma.local @!p0 [hbm:s6], $0xF7A  }
0x23: {  	s9 =	sor.u32 $0xD0000000, s2;
	s6 =	simm.s32 $0x108;
	_ =	swait.ge @!p0 [sflag:s8], $0x0  }
0x24: {  	s3 =	sadd.s32 $0x88, s3;
	s6 =	simm.s32 @!p1 $0x1082;
	[sflag:s4] =	ssyncset.s32 $0xFFFFF086  }
0x25: {  	[simem:s6], [sflag:s4] =	dma.local [hbm:s3], $0xF7A  }
0x26: {  	[smem:$0x3F9B] =	sst s1;
	(tag) =	ssettag s2;
	_ =	strace s9  }
0x27: {  	s1 =	sld [smem:$0x3FAB]  }
0x28: {  	s2 =	sld [smem:$0x3FAC]  }
0x29: {  	s4 =	sld [smem:$0x3FAE]  }
0x2a: {  	p0 =	seq.s32 s5, $0x0;
	s5 =	sld [smem:$0x3FAF]  }
0x2b: {  	s6 =	sld [smem:$0x3FB0]  }
0x2c: {  	s7 =	sld [smem:$0x3FB1]  }
0x2d: {  	s3 =	simm.s32 $0x108;
	s8 =	sld [smem:$0x3FB2]  }
0x2e: {  	s3 =	simm.s32 @!p0 $0x1082;
	s9 =	sld [smem:$0x3FB3]  }
0x2f: {  	lr =	sadd.s32 s0, s3;
	s0 =	sld [smem:$0x3FAA]  }
0x30: {  	s3 =	sld [smem:$0x3FAD]  }
0x31: {  	[smem:$0x3FB6] =	sst s10  }
0x32: {  	s10 =	sld [smem:$0x3FB4];
	_ =	sdelay $0x3  }
0x33: {  	p0 =	seq.s32 s10, $0x1;
	s10 =	sld [smem:$0x3FB6];
	_ =	sdelay $0x3  }
0x34: {  	[smem:$0x3FB6] =	sst s10  }
0x35: {  	s10 =	sld [smem:$0x3FB5];
	_ =	sdelay $0x3  }
0x36: {  	p1 =	seq.s32 s10, $0x1;
	s10 =	sld [smem:$0x3FB6];
	_ =	sdelay $0x3  }
0x37: {  	[smem:$0x3FB6] =	sst s10  }
0x38: {  	s10 =	sld [smem:$0x3FB7]  }
0x39: {  	_ = 	snop;
	(pc) =	sbr.ind lr, $3  }
0x3a: {  	_ = 	snop  }
0x3b: {  	_ = 	snop  }
0x3c: {  	p2 =	seq.s32 s10, $0x1;
	s10 =	sld [smem:$0x3FB6]  }
0x3d: {  	_ =	shalt  }
0x3e: {  	_ =	shalt  }
0x3f: {  	_ =	shalt  }
0x40: {  	_ =	shalt  }
0x41: {  	_ =	shalt  }
0x42: {  	_ =	shalt  }
0x43: {  	_ =	shalt  }
0x44: {  	_ =	shalt  }
0x45: {  	_ =	shalt  }
0x46: {  	_ =	shalt  }
0x47: {  	_ =	shalt  }
0x48: {  	_ =	shalt  }
0x49: {  	_ =	shalt  }
0x4a: {  	_ =	shalt  }
0x4b: {  	_ =	shalt  }
0x4c: {  	_ =	shalt  }
0x4d: {  	_ =	shalt  }
0x4e: {  	_ =	shalt  }
0x4f: {  	_ =	shalt  }
0x50: {  	_ =	shalt  }
0x51: {  	_ =	shalt  }
0x52: {  	_ =	shalt  }
0x53: {  	_ =	shalt  }
0x54: {  	_ =	shalt  }
0x55: {  	_ =	shalt  }
0x56: {  	_ =	shalt  }
0x57: {  	_ =	shalt  }
0x58: {  	_ =	shalt  }
0x59: {  	_ =	shalt  }
0x5a: {  	_ =	shalt  }
0x5b: {  	_ =	shalt  }
0x5c: {  	_ =	shalt  }
0x5d: {  	_ =	shalt  }
0x5e: {  	_ =	shalt  }
0x5f: {  	_ =	shalt  }
0x60: {  	_ =	shalt  }
0x61: {  	_ =	shalt  }
0x62: {  	_ =	shalt  }
0x63: {  	_ =	shalt  }
0x64: {  	_ =	shalt  }
0x65: {  	_ =	shalt  }
0x66: {  	_ =	shalt  }
0x67: {  	_ =	shalt  }
0x68: {  	_ =	shalt  }
0x69: {  	_ =	shalt  }
0x6a: {  	_ =	shalt  }
0x6b: {  	_ =	shalt  }
0x6c: {  	_ =	shalt  }
0x6d: {  	_ =	shalt  }
0x6e: {  	_ =	shalt  }
0x6f: {  	_ =	shalt  }
0x70: {  	_ =	shalt  }
0x71: {  	_ =	shalt  }
0x72: {  	_ =	shalt  }
0x73: {  	_ =	shalt  }
0x74: {  	_ =	shalt  }
0x75: {  	_ =	shalt  }
0x76: {  	_ =	shalt  }
0x77: {  	_ =	shalt  }
0x78: {  	_ =	shalt  }
0x79: {  	_ =	shalt  }
0x7a: {  	_ =	shalt  }
0x7b: {  	_ =	shalt  }
0x7c: {  	_ =	shalt  }
0x7d: {  	_ =	shalt  }
0x7e: {  	_ =	shalt  }
0x7f: {  	_ =	shalt  }
0x80: {  	_ =	shalt  }
0x81: {  	_ =	shalt  }
0x82: {  	_ =	shalt  }
0x83: {  	_ =	shalt  }
0x84: {  	_ =	shalt  }
0x85: {  	_ =	shalt  }
0x86: {  	_ =	shalt  }
0x87: {  	_ =	shalt  }
.Lfunc_end0:
.L_simem_size_0:
called_computation.1_lowered:
.L_overlay_start_0:
0x88: {  	s2 =	sld [smem:$0x3FD9]  }
0x89: {  	s3 =	sld [smem:$0x3FFE];
	_ =	sdelay $0x1  }
0x8a: {  	s1 =	srdreg.scid  }
0x8b: {  	s0 =	sand.u32 $0x1, s1  }
0x8c: {  	s17 =	sshll.u32 s0, $0xA;
	s2 =	sadd.s32 s3, s2  }
0x8d: {  	s2 =	sadd.s32 s2, s17  }
0x8e: {  	[smem:$0x3FC2] =	sst s2  }
0x8f: {  	_ = 	snop  }
0x90: {  	s2 =	sld [smem:$0x3FD0];
	(tm) =	ssettm $0x1  }
0x91: {  	s18 =	sld [smem:$0x3FFB];
	_ =	sdelay $0x3  }
0x92: {  	_ =	strace s18  }
0x93: {  	s3 =	sld [smem:$0x3FFC];
	_ =	sdelay $0x3  }
0x94: {  	_ =	strace s3  }
0x95: {  	s3 =	sld [smem:$0x3FFD];
	_ =	sdelay $0x3  }
0x96: {  	_ =	strace s3  }
0x97: {  	_ =	strace $0x8FFFFFFF  }
0x98: {  	s19 =	sld [smem:$0x3FDB];
	_ =	sdelay $0x1  }
0x99: {  	s4 =	simm.s32 $_scs_section_size  }
0x9a: {  	s5 =	simm.s32 $_size__tile_overlayer_lowered;
	s6 =	simm.s32 $_tile_overlayer_lowered  }
0x9b: {  	s22 =	simm.s32 $0x1BFF;
	s21 =	sshll.u32 s6, $0x1;
	s3 =	sadd.s32 s4, s19  }
0x9c: {  	s7 =	simm.s32 $0x0;
	s20 =	sshll.u32 s5, $0x1;
	s5 =	sadd.s32 s21, s3  }
0x9d: {  	[timem:s7], [sflag:s22] =	dma.local [hbm:s5], s20  }
0x9e: {  	_ =	swait.ge [sflag:s22], s20  }
0x9f: {  	s4 =	ssub.s32 $0x0, s20;
	[sflag:s22] =	ssyncset.done $0x0  }
0xa0: {  	[sflag:s22] =	ssyncadd.s32 s4;
	_ =	sdelay $0x1  }
0xa1: {  	s23 =	simm.s32 $0x1B8B  }
0xa2: {  	_ =	swait.ge [sflag:s23], $0x1  }
0xa3: {  	[sflag:s23] =	ssyncset.done $0x0  }
0xa4: {  	s25 =	simm.s32 $0x1B8E;
	s24 =	sld [smem:$0x3FFE];
	[sflag:s23] =	ssyncadd.s32 $0xFFFFFFFF  }
0xa5: {  	s26 =	simm.s32 $execute0_lowered;
	[smem:$0x3FD2] =	sst s25  }
0xa6: {  	s5 =	sshll.u32 s26, $0x1;
	_ =	strace $0x80000049;
	[dreg:$0x1] =	wrdreg $0xFFFFFFFF  }
0xa7: {  	s28 =	simm.s32 $_size_execute0_lowered;
	s3 =	sadd.s32 s3, s5;
	[dreg:$0x0] =	wrdreg $0x0  }
0xa8: {  	s5 =	sshll.u32 s28, $0x1;
	[dreg:$0x2] =	wrdreg s3  }
0xa9: {  	[dreg:$0x3] =	wrdreg s5  }
0xaa: {  	[dreg:$0x4] =	wrdreg $0xC0  }
0xab: {  	_ =	task [dreg:s7], $0x5FFFF  }
0xac: {  	[dreg:$0x1] =	wrdreg $0xFFFFFFFF  }
0xad: {  	[dreg:$0x0] =	wrdreg $0x60  }
0xae: {  	[dreg:$0x2] =	wrdreg s2  }
0xaf: {  	[dreg:$0x3] =	wrdreg s24  }
0xb0: {  	[dreg:$0x4] =	wrdreg $0x90000  }
0xb1: {  	[dreg:$0x5] =	wrdreg $0x9  }
0xb2: {  	_ =	task.clear_ibuf [dreg:s7], $0x6FFFF;
	_ =	strace $0x90000049  }
0xb3: {  	s29 =	simm.s32 $0x9;
	_ =	strace $0x8000004B  }
0xb4: {  	_ =	swait.ge [sflag:s29], $0x1  }
0xb5: {  	[sflag:s29] =	ssyncadd.s32 $0xFFFFFFFF  }
0xb6: {  	_ =	strace $0x9000004B  }
0xb7: {  	_ =	sfence  }
0xb8: {  	s30 =	sld [smem:$0x0];
	_ =	sdelay $0x2  }
0xb9: {  	s31 =	sshll.u32 s1, $0xD;
	s1 =	sshrl.u32 s1, $0x2  }
0xba: {  	s3 =	sand.u32 $0x4000, s31;
	s1 =	sadd.s32 s1, s30  }
0xbb: {  	s0 =	sor.u32 s3, s0;
	s1 =	sshll.u32 s1, $0x11  }
0xbc: {  	s0 =	sor.u32 s1, s0  }
0xbd: {  	s0 =	sadd.s32 $0x8F2B, s0  }
0xbe: {  	[sflag:s0] =	ssyncadd.remote.s32 $0x1  }
0xbf: {  	_ =	sfence.sel $0xFFFF  }
0xc0: {  	[dreg:$0x0] =	wrdreg $0xFFFFFFFF;
	(pc) =	sbr.abs _section_cstart, $3  }
0xc1: {  	[dreg:$0x1] =	wrdreg $0xFFFFFFFF  }
0xc2: {  	_ =	task.clear_ibuf [dreg:s7], $0x2FFFF;
	_ =	strace $0x9FFFFFFF  }
0xc3: {  	(tm) =	ssettm $0x7FFFFFFF  }
tec
execute0_lowered:
.L_overlay_start_1:
0x0: {  	(tag) =	ssettag $0x1  }
0x1: {  	s1 =	rddreg [dreg:$0x0];
	s2 =	srdreg.scid  }
0x2: {  	s0 =	stileid.u32;
	s6 =	rddreg [dreg:$0x1]  }
0x3: {  	s3 =	rddreg [dreg:$0x2];
	s4 =	simm.s32 $0x0;
	s5 =	smul.u32 $0x2800, s0  }
0x4: {  	s18 =	simm.s32 $0x80;
	s19 =	simm.s32 $0x5000;
	s10 =	smul.u32 $0x14000, s0  }
0x5: {  	s7 =	sand.u32 $0x1, s2;
	s2 =	rddreg [dreg:$0x3];
	s11 =	smul.u32 $0x50000, s0  }
0x6: {  	s20 =	simm.s32 $0x0;
	[smem:$0x7FF] =	sst s4;
	s8 =	smul.u32 $0x28000, s7  }
0x7: {  	s12 =	sshll.u32 s0, $0x6;
	s9 =	smul.u32 $0x140000, s7;
	s31 =	ssub.s32 $0x2, s7  }
0x8: {  	_ =	strace $0x8000004A;
	s7 =	sshrl.u32 s31, $0x1;
	s11 =	sshrl.u32 s11, $0x2  }
0x9: {  	s8 =	sadd.s32 s5, s8;
	s5 =	sshrl.u32 s5, $0x3;
	s9 =	sadd.s32 s10, s9  }
0xa: {  	s13 =	ssub.s32 s31, s7;
	s11 =	sadd.s32 s11, s3;
	s8 =	sshrl.u32 s8, $0x3  }
0xb: {  	s30 =	sadd.s32 s5, s6;
	s9 =	sshrl.u32 s9, $0x3;
	s5 =	sadd.s32 $0x6800, s6  }
0xc: {  	s14 =	sadd.s32 $0x4000, s11;
	s15 =	sadd.s32 $0x8000, s11;
	s16 =	sadd.s32 $0xC000, s11  }
0xd: {  	s17 =	sadd.s32 $0x10000, s11;
	s10 =	smax.u32 s13, $0x1;
	s11 =	sshrl.u32 s11, $0x3  }
0xe: {  	s8 =	sadd.s32 s8, s6;
	s9 =	sadd.s32 s9, s6;
	s6 =	sor.u32 $0x1C01, s12  }
0xf: {  	s12 =	simm.s32 $0x1;
	s13 =	sshrl.u32 s14, $0x3;
	s14 =	sshrl.u32 s15, $0x3  }
0x10: {  	s15 =	sshrl.u32 s16, $0x3;
	s16 =	sshrl.u32 s17, $0x3;
	s17 =	simm.s32 $0x2800  }
0x11: {  	s7 =	sadd.s32 $0x7800, s8;
	s8 =	sadd.s32 $0x1800, s30;
	s9 =	sadd.s32 $0x11800, s9  }
.LBB2_1:
0x12: {  	[spmem:s11], [sflag:s6] =	dma.local [hbm:s5], $0x800  }
0x13: {  	_ =	swait.ge [sflag:s12], $0x800  }
0x14: {  	[sflag:s12] =	ssyncset.done $0x0  }
0x15: {  	[sflag:s12] =	ssyncadd.s32 $0xFFFFF800  }
0x16: {  	[spmem:s13], [sflag:s6] =	dma.local [hbm:s5], $0x800  }
0x17: {  	_ =	swait.ge [sflag:s12], $0x800  }
0x18: {  	[sflag:s12] =	ssyncset.done $0x0  }
0x19: {  	[sflag:s12] =	ssyncadd.s32 $0xFFFFF800  }
0x1a: {  	[spmem:s14], [sflag:s6] =	dma.local [hbm:s5], $0x800  }
0x1b: {  	_ =	swait.ge [sflag:s12], $0x800  }
0x1c: {  	[sflag:s12] =	ssyncset.done $0x0  }
0x1d: {  	[sflag:s12] =	ssyncadd.s32 $0xFFFFF800  }
0x1e: {  	[spmem:s15], [sflag:s6] =	dma.local [hbm:s5], $0x800  }
0x1f: {  	_ =	swait.ge [sflag:s12], $0x800  }
0x20: {  	[sflag:s12] =	ssyncset.done $0x0  }
0x21: {  	[sflag:s12] =	ssyncadd.s32 $0xFFFFF800  }
0x22: {  	[spmem:s16], [sflag:s6] =	dma.local [hbm:s5], $0x800  }
0x23: {  	_ =	swait.ge [sflag:s12], $0x800  }
0x24: {  	[sflag:s12] =	ssyncset.done $0x0  }
0x25: {  	[sflag:s12] =	ssyncadd.s32 $0xFFFFF800  }
0x26: {  	[bflag:$0x0] =	sbarrier.arrive $0xFFFF  }
0x27: {  	[tilespmem:s4], [sflag:$0x1] =	stream.linear.gather [hbm4b:s7+s4], $0x2780, $0x38;
	[tilespmem:$0x1D000] =	vst v63  }
0x28: {  	_ =	swait.ge [sflag:s12], $0x2780  }
0x29: {  	[sflag:s12] =	ssyncset.done $0x0  }
0x2a: {  	[sflag:s12] =	ssyncadd.s32 $0xFFFFD880  }
0x2b: {  	[tilespmem:s17], [sflag:$0x1] =	stream.linear.gather [hbm4b:s8+s4], $0x2780, $0x38;
	[tilespmem:$0x1D000] =	vst v63  }
0x2c: {  	_ =	swait.ge [sflag:s12], $0x2780  }
0x2d: {  	[sflag:s12] =	ssyncset.done $0x0  }
0x2e: {  	s21 =	simm.s32 $0x0;
	[sflag:s12] =	ssyncadd.s32 $0xFFFFD880  }
0x2f: {  	[tilespmem:s19], [sflag:$0x1] =	stream.indirect.gather [hbm4b:s1+s18], $0x80, s21, s18, $0xb8;
	[tilespmem:$0x1D000] =	vst v63  }
0x30: {  	_ =	swait.ge [sflag:s12], $0x4000  }
0x31: {  	[sflag:s12] =	ssyncset.done $0x0  }
0x32: {  	s31 =	simm.s32 $0x2800;
	[sflag:s12] =	ssyncadd.s32 $0xFFFFC000  }
0x33: {  	[spmem:s3] =	stream.indirect.scatter.add.f32 [tilespmem:s19], [sflag:$0x1], $0x80, s31, s18, $0xb8;
	[tilespmem:$0x1D000] =	vst v63  }
0x34: {  	_ =	swait.ge [sflag:s12], $0x4000  }
0x35: {  	s22 =	simm.s32 $0x400;
	s21 =	simm.s32 $0x200;
	[sflag:s12] =	ssyncset.done $0x0  }
.LBB2_2:
0x36: {  	s23 =	sshra.s32 s21, $0x2  }
0x37: {  	[sflag:s12] =	ssyncadd.s32 $0xFFFFC000;
	s21 =	smov.u32 s22;
	s24 =	sadd.s32 $0x200, s22  }
0x38: {  	[tilespmem:s19], [sflag:$0x1] =	stream.indirect.gather [hbm4b:s1+s18], $0x80, s23, s18, $0xb8;
	[tilespmem:$0x1D000] =	vst v63  }
0x39: {  	p0 =	sne.s32 s22, $0x9C00;
	_ =	swait.ge [sflag:s12], $0x4000  }
.Ltmp0:
0x3a: {  	[sflag:s12] =	ssyncset.done $0x0;
	(pc) =	sbr.rel @p0 .LBB2_2-.Ltmp0, $4  }
0x3b: {  	s22 =	sadd.s32 $0x2800, s23;
	[sflag:s12] =	ssyncadd.s32 $0xFFFFC000  }
0x3c: {  	[spmem:s3] =	stream.indirect.scatter.add.f32 [tilespmem:s19], [sflag:$0x1], $0x80, s22, s18, $0xb8;
	[tilespmem:$0x1D000] =	vst v63  }
0x3d: {  	_ =	swait.ge [sflag:s12], $0x4000  }
0x3e: {  	s22 =	smov.u32 s24;
	[sflag:s12] =	ssyncset.done $0x0  }
0x3f: {  	s21 =	sshra.s32 s21, $0x2;
	[sflag:s12] =	ssyncadd.s32 $0xFFFFC000  }
0x40: {  	[tilespmem:s19], [sflag:$0x1] =	stream.indirect.gather [hbm4b:s1+s18], $0x80, s21, s18, $0xb8;
	[tilespmem:$0x1D000] =	vst v63  }
0x41: {  	_ =	swait.ge [sflag:s12], $0x4000  }
0x42: {  	[sflag:s12] =	ssyncset.done $0x0  }
0x43: {  	s21 =	sadd.s32 $0x2800, s21;
	[sflag:s12] =	ssyncadd.s32 $0xFFFFC000  }
0x44: {  	[spmem:s3] =	stream.indirect.scatter.add.f32 [tilespmem:s19], [sflag:$0x1], $0x80, s21, s18, $0xb8;
	[tilespmem:$0x1D000] =	vst v63  }
0x45: {  	_ =	swait.ge [sflag:s12], $0x4000  }
0x46: {  	s20 =	sadd.s32 $0x1, s20;
	[sflag:s12] =	ssyncset.done $0x0  }
0x47: {  	p0 =	sne.s32 s20, s10;
	[sflag:s12] =	ssyncadd.s32 $0xFFFFC000  }
.Ltmp1:
0x48: {  	[bflag:$0x0] =	sbarrier.arrive $0xFFFF;
	(pc) =	sbr.rel @p0 .LBB2_1-.Ltmp1, $4  }
0x49: {  	[hbm:s9], [sflag:s6] =	dma.local [spmem:s11], $0x2800  }
0x4a: {  	_ =	swait.ge [sflag:s12], $0x2800  }
0x4b: {  	[sflag:s12] =	ssyncset.done $0x0  }
0x4c: {  	[sflag:s12] =	ssyncadd.s32 $0xFFFFD800  }
0x4d: {  	_ =	sfence.sel $0x180000  }
0x4e: {  	[bflag:$0x0] =	sbarrier.arrive $0xFFFF  }
0x4f: {  	p0 =	sne.s32 s0, $0x0;
	_ =	strace $0x9000004A  }
0x50: {  	s0 =	sadd.s32 @!p0 $0x100000, s2;
	[bflag:$0x2] =	sbarrier.arrive $0xFFFF  }
0x51: {  	[sflag:s0] =	ssyncadd.tile.s32 @!p0 $0x1;
	_ =	shalt  }
.Lfunc_end2:
_tile_overlayer_lowered:
.L_overlay_start_2:
0x52: {  	(tag) =	ssettag $0x2  }
0x53: {  	s0 =	rddreg [dreg:$0x0];
	s2 =	stileid.u32  }
0x54: {  	s1 =	rddreg [dreg:$0x1];
	p0 =	sne.s32 s2, $0x0  }
0x55: {  	s3 =	rddreg [dreg:$0x2];
	[bflag:$0x3] =	sbarrier.arrive $0xFFFF;
	s2 =	simm.s32 @!p0 $0x1C01  }
0x56: {  	[timem:s3], [sflag:s2] =	dma.local @!p0 [hbm:s0], s1  }
0x57: {  	s0 =	simm.s32 @!p0 $0x1  }
0x58: {  	_ =	swait.ge @!p0 [sflag:s0], s1  }
0x59: {  	s1 =	ssub.s32 @!p0 $0x0, s1;
	[sflag:s0] =	ssyncset.done @!p0 $0x0  }
0x5a: {  	[sflag:s0] =	ssyncadd.s32 @!p0 s1  }
0x5b: {  	[bflag:$0x3] =	sbarrier.arrive $0xFFFF  }
0x5c: {  	_ =	shalt  }

// kernel: kernel.14.cloned.1.call-start
scs
__scs_entry_jumppad:
0x0: {  	(pc) =	sbr.rel $0x88, $3  }
0x1: {  	(tag) =	ssettag $0x0;
	lr =	simm.s32 $0x1  }
0x2: {  	[smem:$0x3F9B] =	sst lr;
	_ =	strace $0xD0000000  }
0x3: {  	_ = 	snop  }
0x4: {  	_ = 	snop  }
0x5: {  	_ = 	snop  }
0x6: {  	_ = 	snop  }
0x7: {  	_ = 	snop  }
__scs_overlays_trampoline_lowered:
0x8: {  	[smem:$0x3FAA] =	sst s0  }
0x9: {  	[smem:$0x3FAB] =	sst s1  }
0xa: {  	[smem:$0x3FAC] =	sst s2  }
0xb: {  	[smem:$0x3FAD] =	sst s3  }
0xc: {  	[smem:$0x3FAE] =	sst s4  }
0xd: {  	[smem:$0x3FAF] =	sst s5  }
0xe: {  	[smem:$0x3FB0] =	sst s6  }
0xf: {  	[smem:$0x3FB1] =	sst s7  }
0x10: {  	[smem:$0x3FB2] =	sst s8  }
0x11: {  	[smem:$0x3FB3] =	sst s9;
	s0 =	simm.s32 @!p0 $0x0  }
0x12: {  	s1 =	sld [smem:$0x3F99];
	s0 =	simm.s32 @p0 $0x1  }
0x13: {  	[smem:$0x3FB4] =	sst s0;
	s0 =	simm.s32 @!p1 $0x0  }
0x14: {  	s2 =	sld [smem:$0x3F98];
	s0 =	simm.s32 @p1 $0x1  }
0x15: {  	[smem:$0x3FB5] =	sst s0;
	s0 =	simm.s32 @!p2 $0x0  }
0x16: {  	s3 =	sld [smem:$0x3FDB];
	s0 =	simm.s32 @p2 $0x1  }
0x17: {  	s4 =	simm.s32 $0x1BF5;
	[smem:$0x3FB7] =	sst s0  }
0x18: {  	s0 =	sld [smem:$0x3F9A];
	_ =	swait.ge [sflag:s4], $0x0  }
0x19: {  	s7 =	sld [smem:$0x3F9B]  }
0x1a: {  	s8 =	sadd.s32 $0xFFFFE003, lr  }
0x1b: {  	s9 =	sadd.s32 $0xFFFFFEF7, lr;
	s5 =	simm.s32 $0xFFFFFFFF;
	p2 =	slt.u32 s8, $0xFFFFF086  }
0x1c: {  	p1 =	slt.u32 s9, $0xF7A;
	s5 =	simm.s32 @!p2 $0x0  }
0x1d: {  	s5 =	simm.s32 @p1 $0x1;
	p0 =	seq.s32 s7, s2  }
0x1e: {  	s7 =	smul.u32 @!p0 $0xF7A, s2;
	p2 =	seq.s32 @!p0 s5, $0x0  }
0x1f: {  	s9 =	smul.u32 $0xF7A, s1;
	s8 =	simm.s32 @!p0 $0x1BF5;
	p2 =	por !p2, p0  }
0x20: {  	[sflag:s8] =	ssyncset.s32 @!p0 $0xFFFFF086;
	s6 =	sadd.s32 @!p0 s3, s7;
	s7 =	simm.s32 @!p0 $0x108  }
0x21: {  	s3 =	sadd.s32 s3, s9;
	s6 =	sadd.s32 @!p0 $0x88, s6;
	s7 =	simm.s32 @p2 $0x1082  }
0x22: {  	[simem:s7], [sflag:s8] =	dma.local @!p0 [hbm:s6], $0xF7A  }
0x23: {  	s9 =	sor.u32 $0xD0000000, s2;
	s6 =	simm.s32 $0x108;
	_ =	swait.ge @!p0 [sflag:s8], $0x0  }
0x24: {  	s3 =	sadd.s32 $0x88, s3;
	s6 =	simm.s32 @!p1 $0x1082;
	[sflag:s4] =	ssyncset.s32 $0xFFFFF086  }
0x25: {  	[simem:s6], [sflag:s4] =	dma.local [hbm:s3], $0xF7A  }
0x26: {  	[smem:$0x3F9B] =	sst s1;
	(tag) =	ssettag s2;
	_ =	strace s9  }
0x27: {  	s1 =	sld [smem:$0x3FAB]  }
0x28: {  	s2 =	sld [smem:$0x3FAC]  }
0x29: {  	s4 =	sld [smem:$0x3FAE]  }
0x2a: {  	p0 =	seq.s32 s5, $0x0;
	s5 =	sld [smem:$0x3FAF]  }
0x2b: {  	s6 =	sld [smem:$0x3FB0]  }
0x2c: {  	s7 =	sld [smem:$0x3FB1]  }
0x2d: {  	s3 =	simm.s32 $0x108;
	s8 =	sld [smem:$0x3FB2]  }
0x2e: {  	s3 =	simm.s32 @!p0 $0x1082;
	s9 =	sld [smem:$0x3FB3]  }
0x2f: {  	lr =	sadd.s32 s0, s3;
	s0 =	sld [smem:$0x3FAA]  }
0x30: {  	s3 =	sld [smem:$0x3FAD]  }
0x31: {  	[smem:$0x3FB6] =	sst s10  }
0x32: {  	s10 =	sld [smem:$0x3FB4];
	_ =	sdelay $0x3  }
0x33: {  	p0 =	seq.s32 s10, $0x1;
	s10 =	sld [smem:$0x3FB6];
	_ =	sdelay $0x3  }
0x34: {  	[smem:$0x3FB6] =	sst s10  }
0x35: {  	s10 =	sld [smem:$0x3FB5];
	_ =	sdelay $0x3  }
0x36: {  	p1 =	seq.s32 s10, $0x1;
	s10 =	sld [smem:$0x3FB6];
	_ =	sdelay $0x3  }
0x37: {  	[smem:$0x3FB6] =	sst s10  }
0x38: {  	s10 =	sld [smem:$0x3FB7]  }
0x39: {  	_ = 	snop;
	(pc) =	sbr.ind lr, $3  }
0x3a: {  	_ = 	snop  }
0x3b: {  	_ = 	snop  }
0x3c: {  	p2 =	seq.s32 s10, $0x1;
	s10 =	sld [smem:$0x3FB6]  }
0x3d: {  	_ =	shalt  }
0x3e: {  	_ =	shalt  }
0x3f: {  	_ =	shalt  }
0x40: {  	_ =	shalt  }
0x41: {  	_ =	shalt  }
0x42: {  	_ =	shalt  }
0x43: {  	_ =	shalt  }
0x44: {  	_ =	shalt  }
0x45: {  	_ =	shalt  }
0x46: {  	_ =	shalt  }
0x47: {  	_ =	shalt  }
0x48: {  	_ =	shalt  }
0x49: {  	_ =	shalt  }
0x4a: {  	_ =	shalt  }
0x4b: {  	_ =	shalt  }
0x4c: {  	_ =	shalt  }
0x4d: {  	_ =	shalt  }
0x4e: {  	_ =	shalt  }
0x4f: {  	_ =	shalt  }
0x50: {  	_ =	shalt  }
0x51: {  	_ =	shalt  }
0x52: {  	_ =	shalt  }
0x53: {  	_ =	shalt  }
0x54: {  	_ =	shalt  }
0x55: {  	_ =	shalt  }
0x56: {  	_ =	shalt  }
0x57: {  	_ =	shalt  }
0x58: {  	_ =	shalt  }
0x59: {  	_ =	shalt  }
0x5a: {  	_ =	shalt  }
0x5b: {  	_ =	shalt  }
0x5c: {  	_ =	shalt  }
0x5d: {  	_ =	shalt  }
0x5e: {  	_ =	shalt  }
0x5f: {  	_ =	shalt  }
0x60: {  	_ =	shalt  }
0x61: {  	_ =	shalt  }
0x62: {  	_ =	shalt  }
0x63: {  	_ =	shalt  }
0x64: {  	_ =	shalt  }
0x65: {  	_ =	shalt  }
0x66: {  	_ =	shalt  }
0x67: {  	_ =	shalt  }
0x68: {  	_ =	shalt  }
0x69: {  	_ =	shalt  }
0x6a: {  	_ =	shalt  }
0x6b: {  	_ =	shalt  }
0x6c: {  	_ =	shalt  }
0x6d: {  	_ =	shalt  }
0x6e: {  	_ =	shalt  }
0x6f: {  	_ =	shalt  }
0x70: {  	_ =	shalt  }
0x71: {  	_ =	shalt  }
0x72: {  	_ =	shalt  }
0x73: {  	_ =	shalt  }
0x74: {  	_ =	shalt  }
0x75: {  	_ =	shalt  }
0x76: {  	_ =	shalt  }
0x77: {  	_ =	shalt  }
0x78: {  	_ =	shalt  }
0x79: {  	_ =	shalt  }
0x7a: {  	_ =	shalt  }
0x7b: {  	_ =	shalt  }
0x7c: {  	_ =	shalt  }
0x7d: {  	_ =	shalt  }
0x7e: {  	_ =	shalt  }
0x7f: {  	_ =	shalt  }
0x80: {  	_ =	shalt  }
0x81: {  	_ =	shalt  }
0x82: {  	_ =	shalt  }
0x83: {  	_ =	shalt  }
0x84: {  	_ =	shalt  }
0x85: {  	_ =	shalt  }
0x86: {  	_ =	shalt  }
0x87: {  	_ =	shalt  }
.Lfunc_end0:
.L_simem_size_0:
called_computation.2_lowered:
.L_overlay_start_0:
0x88: {  	s2 =	sld [smem:$0x3FD9]  }
0x89: {  	s3 =	sld [smem:$0x3FFE];
	_ =	sdelay $0x1  }
0x8a: {  	s1 =	srdreg.scid  }
0x8b: {  	s0 =	sand.u32 $0x1, s1  }
0x8c: {  	s17 =	sshll.u32 s0, $0xA;
	s2 =	sadd.s32 s3, s2  }
0x8d: {  	s2 =	sadd.s32 s2, s17  }
0x8e: {  	[smem:$0x3FC2] =	sst s2  }
0x8f: {  	_ = 	snop  }
0x90: {  	s2 =	sld [smem:$0x3FD0];
	(tm) =	ssettm $0x1  }
0x91: {  	s18 =	sld [smem:$0x3FFB];
	_ =	sdelay $0x3  }
0x92: {  	_ =	strace s18  }
0x93: {  	s3 =	sld [smem:$0x3FFC];
	_ =	sdelay $0x3  }
0x94: {  	_ =	strace s3  }
0x95: {  	s3 =	sld [smem:$0x3FFD];
	_ =	sdelay $0x3  }
0x96: {  	_ =	strace s3  }
0x97: {  	_ =	strace $0x8FFFFFFF  }
0x98: {  	s19 =	sld [smem:$0x3FDB];
	_ =	sdelay $0x1  }
0x99: {  	s4 =	simm.s32 $_scs_section_size  }
0x9a: {  	s5 =	simm.s32 $_size__tile_overlayer_lowered;
	s6 =	simm.s32 $_tile_overlayer_lowered  }
0x9b: {  	s22 =	simm.s32 $0x1BFF;
	s21 =	sshll.u32 s6, $0x1;
	s3 =	sadd.s32 s4, s19  }
0x9c: {  	s7 =	simm.s32 $0x0;
	s20 =	sshll.u32 s5, $0x1;
	s5 =	sadd.s32 s21, s3  }
0x9d: {  	[timem:s7], [sflag:s22] =	dma.local [hbm:s5], s20  }
0x9e: {  	_ =	swait.ge [sflag:s22], s20  }
0x9f: {  	s4 =	ssub.s32 $0x0, s20;
	[sflag:s22] =	ssyncset.done $0x0  }
0xa0: {  	[sflag:s22] =	ssyncadd.s32 s4;
	_ =	sdelay $0x1  }
0xa1: {  	s23 =	simm.s32 $0x1B8B  }
0xa2: {  	_ =	swait.ge [sflag:s23], $0x1  }
0xa3: {  	[sflag:s23] =	ssyncset.done $0x0  }
0xa4: {  	s25 =	simm.s32 $0x1B8E;
	s24 =	sld [smem:$0x3FFE];
	[sflag:s23] =	ssyncadd.s32 $0xFFFFFFFF  }
0xa5: {  	s26 =	simm.s32 $execute0_lowered;
	[smem:$0x3FD2] =	sst s25  }
0xa6: {  	s5 =	sshll.u32 s26, $0x1;
	_ =	strace $0x8000004C;
	[dreg:$0x1] =	wrdreg $0xFFFFFFFF  }
0xa7: {  	s28 =	simm.s32 $_size_execute0_lowered;
	s3 =	sadd.s32 s3, s5;
	[dreg:$0x0] =	wrdreg $0x0  }
0xa8: {  	s5 =	sshll.u32 s28, $0x1;
	[dreg:$0x2] =	wrdreg s3  }
0xa9: {  	[dreg:$0x3] =	wrdreg s5  }
0xaa: {  	[dreg:$0x4] =	wrdreg $0xC0  }
0xab: {  	_ =	task [dreg:s7], $0x5FFFF  }
0xac: {  	[dreg:$0x1] =	wrdreg $0xFFFFFFFF  }
0xad: {  	[dreg:$0x0] =	wrdreg $0x60  }
0xae: {  	[dreg:$0x2] =	wrdreg s2  }
0xaf: {  	[dreg:$0x3] =	wrdreg s24  }
0xb0: {  	[dreg:$0x4] =	wrdreg $0x90000  }
0xb1: {  	[dreg:$0x5] =	wrdreg $0x9  }
0xb2: {  	_ =	task.clear_ibuf [dreg:s7], $0x6FFFF;
	_ =	strace $0x9000004C  }
0xb3: {  	s29 =	simm.s32 $0x9;
	_ =	strace $0x8000004E  }
0xb4: {  	_ =	swait.ge [sflag:s29], $0x1  }
0xb5: {  	[sflag:s29] =	ssyncadd.s32 $0xFFFFFFFF  }
0xb6: {  	_ =	strace $0x9000004E  }
0xb7: {  	_ =	sfence  }
0xb8: {  	s30 =	sld [smem:$0x0];
	_ =	sdelay $0x2  }
0xb9: {  	s31 =	sshll.u32 s1, $0xD;
	s1 =	sshrl.u32 s1, $0x2  }
0xba: {  	s3 =	sand.u32 $0x4000, s31;
	s1 =	sadd.s32 s1, s30  }
0xbb: {  	s0 =	sor.u32 s3, s0;
	s1 =	sshll.u32 s1, $0x11  }
0xbc: {  	s0 =	sor.u32 s1, s0  }
0xbd: {  	s0 =	sadd.s32 $0x8F2B, s0  }
0xbe: {  	[sflag:s0] =	ssyncadd.remote.s32 $0x1  }
0xbf: {  	_ =	sfence.sel $0xFFFF  }
0xc0: {  	[dreg:$0x0] =	wrdreg $0xFFFFFFFF;
	(pc) =	sbr.abs _section_cstart, $3  }
0xc1: {  	[dreg:$0x1] =	wrdreg $0xFFFFFFFF  }
0xc2: {  	_ =	task.clear_ibuf [dreg:s7], $0x2FFFF;
	_ =	strace $0x9FFFFFFF  }
0xc3: {  	(tm) =	ssettm $0x7FFFFFFF  }
tec
execute0_lowered:
.L_overlay_start_1:
0x0: {  	(tag) =	ssettag $0x1  }
0x1: {  	s1 =	rddreg [dreg:$0x0];
	s2 =	srdreg.scid  }
0x2: {  	s0 =	stileid.u32;
	s6 =	rddreg [dreg:$0x1]  }
0x3: {  	s3 =	rddreg [dreg:$0x2];
	s4 =	simm.s32 $0x0;
	s5 =	smul.u32 $0x2800, s0  }
0x4: {  	s18 =	simm.s32 $0x80;
	s19 =	simm.s32 $0x5000;
	s10 =	smul.u32 $0x14000, s0  }
0x5: {  	s7 =	sand.u32 $0x1, s2;
	s2 =	rddreg [dreg:$0x3];
	s11 =	smul.u32 $0x50000, s0  }
0x6: {  	s20 =	simm.s32 $0x0;
	[smem:$0x7FF] =	sst s4;
	s8 =	smul.u32 $0x28000, s7  }
0x7: {  	s12 =	sshll.u32 s0, $0x6;
	s9 =	smul.u32 $0x140000, s7;
	s31 =	ssub.s32 $0x2, s7  }
0x8: {  	_ =	strace $0x8000004D;
	s7 =	sshrl.u32 s31, $0x1;
	s11 =	sshrl.u32 s11, $0x2  }
0x9: {  	s8 =	sadd.s32 s5, s8;
	s5 =	sshrl.u32 s5, $0x3;
	s9 =	sadd.s32 s10, s9  }
0xa: {  	s13 =	ssub.s32 s31, s7;
	s11 =	sadd.s32 s11, s3;
	s8 =	sshrl.u32 s8, $0x3  }
0xb: {  	s30 =	sadd.s32 s5, s6;
	s9 =	sshrl.u32 s9, $0x3;
	s5 =	sadd.s32 $0x6800, s6  }
0xc: {  	s14 =	sadd.s32 $0x4000, s11;
	s15 =	sadd.s32 $0x8000, s11;
	s16 =	sadd.s32 $0xC000, s11  }
0xd: {  	s17 =	sadd.s32 $0x10000, s11;
	s10 =	smax.u32 s13, $0x1;
	s11 =	sshrl.u32 s11, $0x3  }
0xe: {  	s8 =	sadd.s32 s8, s6;
	s9 =	sadd.s32 s9, s6;
	s6 =	sor.u32 $0x1C01, s12  }
0xf: {  	s12 =	simm.s32 $0x1;
	s13 =	sshrl.u32 s14, $0x3;
	s14 =	sshrl.u32 s15, $0x3  }
0x10: {  	s15 =	sshrl.u32 s16, $0x3;
	s16 =	sshrl.u32 s17, $0x3;
	s17 =	simm.s32 $0x2800  }
0x11: {  	s7 =	sadd.s32 $0x7800, s8;
	s8 =	sadd.s32 $0x1800, s30;
	s9 =	sadd.s32 $0x11800, s9  }
.LBB2_1:
0x12: {  	[spmem:s11], [sflag:s6] =	dma.local [hbm:s5], $0x800  }
0x13: {  	_ =	swait.ge [sflag:s12], $0x800  }
0x14: {  	[sflag:s12] =	ssyncset.done $0x0  }
0x15: {  	[sflag:s12] =	ssyncadd.s32 $0xFFFFF800  }
0x16: {  	[spmem:s13], [sflag:s6] =	dma.local [hbm:s5], $0x800  }
0x17: {  	_ =	swait.ge [sflag:s12], $0x800  }
0x18: {  	[sflag:s12] =	ssyncset.done $0x0  }
0x19: {  	[sflag:s12] =	ssyncadd.s32 $0xFFFFF800  }
0x1a: {  	[spmem:s14], [sflag:s6] =	dma.local [hbm:s5], $0x800  }
0x1b: {  	_ =	swait.ge [sflag:s12], $0x800  }
0x1c: {  	[sflag:s12] =	ssyncset.done $0x0  }
0x1d: {  	[sflag:s12] =	ssyncadd.s32 $0xFFFFF800  }
0x1e: {  	[spmem:s15], [sflag:s6] =	dma.local [hbm:s5], $0x800  }
0x1f: {  	_ =	swait.ge [sflag:s12], $0x800  }
0x20: {  	[sflag:s12] =	ssyncset.done $0x0  }
0x21: {  	[sflag:s12] =	ssyncadd.s32 $0xFFFFF800  }
0x22: {  	[spmem:s16], [sflag:s6] =	dma.local [hbm:s5], $0x800  }
0x23: {  	_ =	swait.ge [sflag:s12], $0x800  }
0x24: {  	[sflag:s12] =	ssyncset.done $0x0  }
0x25: {  	[sflag:s12] =	ssyncadd.s32 $0xFFFFF800  }
0x26: {  	[bflag:$0x0] =	sbarrier.arrive $0xFFFF  }
0x27: {  	[tilespmem:s4], [sflag:$0x1] =	stream.linear.gather [hbm4b:s7+s4], $0x2780, $0x38;
	[tilespmem:$0x1D000] =	vst v63  }
0x28: {  	_ =	swait.ge [sflag:s12], $0x2780  }
0x29: {  	[sflag:s12] =	ssyncset.done $0x0  }
0x2a: {  	[sflag:s12] =	ssyncadd.s32 $0xFFFFD880  }
0x2b: {  	[tilespmem:s17], [sflag:$0x1] =	stream.linear.gather [hbm4b:s8+s4], $0x2780, $0x38;
	[tilespmem:$0x1D000] =	vst v63  }
0x2c: {  	_ =	swait.ge [sflag:s12], $0x2780  }
0x2d: {  	[sflag:s12] =	ssyncset.done $0x0  }
0x2e: {  	s21 =	simm.s32 $0x0;
	[sflag:s12] =	ssyncadd.s32 $0xFFFFD880  }
0x2f: {  	[tilespmem:s19], [sflag:$0x1] =	stream.indirect.gather [hbm4b:s1+s18], $0x80, s21, s18, $0xb8;
	[tilespmem:$0x1D000] =	vst v63  }
0x30: {  	_ =	swait.ge [sflag:s12], $0x4000  }
0x31: {  	[sflag:s12] =	ssyncset.done $0x0  }
0x32: {  	s31 =	simm.s32 $0x2800;
	[sflag:s12] =	ssyncadd.s32 $0xFFFFC000  }
0x33: {  	[spmem:s3] =	stream.indirect.scatter.add.f32 [tilespmem:s19], [sflag:$0x1], $0x80, s31, s18, $0xb8;
	[tilespmem:$0x1D000] =	vst v63  }
0x34: {  	_ =	swait.ge [sflag:s12], $0x4000  }
0x35: {  	s22 =	simm.s32 $0x400;
	s21 =	simm.s32 $0x200;
	[sflag:s12] =	ssyncset.done $0x0  }
.LBB2_2:
0x36: {  	s23 =	sshra.s32 s21, $0x2  }
0x37: {  	[sflag:s12] =	ssyncadd.s32 $0xFFFFC000;
	s21 =	smov.u32 s22;
	s24 =	sadd.s32 $0x200, s22  }
0x38: {  	[tilespmem:s19], [sflag:$0x1] =	stream.indirect.gather [hbm4b:s1+s18], $0x80, s23, s18, $0xb8;
	[tilespmem:$0x1D000] =	vst v63  }
0x39: {  	p0 =	sne.s32 s22, $0x9C00;
	_ =	swait.ge [sflag:s12], $0x4000  }
.Ltmp0:
0x3a: {  	[sflag:s12] =	ssyncset.done $0x0;
	(pc) =	sbr.rel @p0 .LBB2_2-.Ltmp0, $4  }
0x3b: {  	s22 =	sadd.s32 $0x2800, s23;
	[sflag:s12] =	ssyncadd.s32 $0xFFFFC000  }
0x3c: {  	[spmem:s3] =	stream.indirect.scatter.add.f32 [tilespmem:s19], [sflag:$0x1], $0x80, s22, s18, $0xb8;
	[tilespmem:$0x1D000] =	vst v63  }
0x3d: {  	_ =	swait.ge [sflag:s12], $0x4000  }
0x3e: {  	s22 =	smov.u32 s24;
	[sflag:s12] =	ssyncset.done $0x0  }
0x3f: {  	s21 =	sshra.s32 s21, $0x2;
	[sflag:s12] =	ssyncadd.s32 $0xFFFFC000  }
0x40: {  	[tilespmem:s19], [sflag:$0x1] =	stream.indirect.gather [hbm4b:s1+s18], $0x80, s21, s18, $0xb8;
	[tilespmem:$0x1D000] =	vst v63  }
0x41: {  	_ =	swait.ge [sflag:s12], $0x4000  }
0x42: {  	[sflag:s12] =	ssyncset.done $0x0  }
0x43: {  	s21 =	sadd.s32 $0x2800, s21;
	[sflag:s12] =	ssyncadd.s32 $0xFFFFC000  }
0x44: {  	[spmem:s3] =	stream.indirect.scatter.add.f32 [tilespmem:s19], [sflag:$0x1], $0x80, s21, s18, $0xb8;
	[tilespmem:$0x1D000] =	vst v63  }
0x45: {  	_ =	swait.ge [sflag:s12], $0x4000  }
0x46: {  	s20 =	sadd.s32 $0x1, s20;
	[sflag:s12] =	ssyncset.done $0x0  }
0x47: {  	p0 =	sne.s32 s20, s10;
	[sflag:s12] =	ssyncadd.s32 $0xFFFFC000  }
.Ltmp1:
0x48: {  	[bflag:$0x0] =	sbarrier.arrive $0xFFFF;
	(pc) =	sbr.rel @p0 .LBB2_1-.Ltmp1, $4  }
0x49: {  	[hbm:s9], [sflag:s6] =	dma.local [spmem:s11], $0x2800  }
0x4a: {  	_ =	swait.ge [sflag:s12], $0x2800  }
0x4b: {  	[sflag:s12] =	ssyncset.done $0x0  }
0x4c: {  	[sflag:s12] =	ssyncadd.s32 $0xFFFFD800  }
0x4d: {  	_ =	sfence.sel $0x180000  }
0x4e: {  	[bflag:$0x0] =	sbarrier.arrive $0xFFFF  }
0x4f: {  	p0 =	sne.s32 s0, $0x0;
	_ =	strace $0x9000004D  }
0x50: {  	s0 =	sadd.s32 @!p0 $0x100000, s2;
	[bflag:$0x2] =	sbarrier.arrive $0xFFFF  }
0x51: {  	[sflag:s0] =	ssyncadd.tile.s32 @!p0 $0x1;
	_ =	shalt  }
.Lfunc_end2:
_tile_overlayer_lowered:
.L_overlay_start_2:
0x52: {  	(tag) =	ssettag $0x2  }
0x53: {  	s0 =	rddreg [dreg:$0x0];
	s2 =	stileid.u32  }
0x54: {  	s1 =	rddreg [dreg:$0x1];
	p0 =	sne.s32 s2, $0x0  }
0x55: {  	s3 =	rddreg [dreg:$0x2];
	[bflag:$0x3] =	sbarrier.arrive $0xFFFF;
	s2 =	simm.s32 @!p0 $0x1C01  }
0x56: {  	[timem:s3], [sflag:s2] =	dma.local @!p0 [hbm:s0], s1  }
0x57: {  	s0 =	simm.s32 @!p0 $0x1  }
0x58: {  	_ =	swait.ge @!p0 [sflag:s0], s1  }
0x59: {  	s1 =	ssub.s32 @!p0 $0x0, s1;
	[sflag:s0] =	ssyncset.done @!p0 $0x0  }
0x5a: {  	[sflag:s0] =	ssyncadd.s32 @!p0 s1  }
0x5b: {  	[bflag:$0x3] =	sbarrier.arrive $0xFFFF  }
0x5c: {  	_ =	shalt  }

// kernel: kernel.8.cloned.1.call-start
scs
__scs_entry_jumppad:
0x0: {  	(pc) =	sbr.rel $0x88, $3  }
0x1: {  	(tag) =	ssettag $0x0;
	lr =	simm.s32 $0x1  }
0x2: {  	[smem:$0x3F9B] =	sst lr;
	_ =	strace $0xD0000000  }
0x3: {  	_ = 	snop  }
0x4: {  	_ = 	snop  }
0x5: {  	_ = 	snop  }
0x6: {  	_ = 	snop  }
0x7: {  	_ = 	snop  }
__scs_overlays_trampoline_lowered:
0x8: {  	[smem:$0x3FAA] =	sst s0  }
0x9: {  	[smem:$0x3FAB] =	sst s1  }
0xa: {  	[smem:$0x3FAC] =	sst s2  }
0xb: {  	[smem:$0x3FAD] =	sst s3  }
0xc: {  	[smem:$0x3FAE] =	sst s4  }
0xd: {  	[smem:$0x3FAF] =	sst s5  }
0xe: {  	[smem:$0x3FB0] =	sst s6  }
0xf: {  	[smem:$0x3FB1] =	sst s7  }
0x10: {  	[smem:$0x3FB2] =	sst s8  }
0x11: {  	[smem:$0x3FB3] =	sst s9;
	s0 =	simm.s32 @!p0 $0x0  }
0x12: {  	s1 =	sld [smem:$0x3F99];
	s0 =	simm.s32 @p0 $0x1  }
0x13: {  	[smem:$0x3FB4] =	sst s0;
	s0 =	simm.s32 @!p1 $0x0  }
0x14: {  	s2 =	sld [smem:$0x3F98];
	s0 =	simm.s32 @p1 $0x1  }
0x15: {  	[smem:$0x3FB5] =	sst s0;
	s0 =	simm.s32 @!p2 $0x0  }
0x16: {  	s3 =	sld [smem:$0x3FDB];
	s0 =	simm.s32 @p2 $0x1  }
0x17: {  	s4 =	simm.s32 $0x1BF5;
	[smem:$0x3FB7] =	sst s0  }
0x18: {  	s0 =	sld [smem:$0x3F9A];
	_ =	swait.ge [sflag:s4], $0x0  }
0x19: {  	s7 =	sld [smem:$0x3F9B]  }
0x1a: {  	s8 =	sadd.s32 $0xFFFFE003, lr  }
0x1b: {  	s9 =	sadd.s32 $0xFFFFFEF7, lr;
	s5 =	simm.s32 $0xFFFFFFFF;
	p2 =	slt.u32 s8, $0xFFFFF086  }
0x1c: {  	p1 =	slt.u32 s9, $0xF7A;
	s5 =	simm.s32 @!p2 $0x0  }
0x1d: {  	s5 =	simm.s32 @p1 $0x1;
	p0 =	seq.s32 s7, s2  }
0x1e: {  	s7 =	smul.u32 @!p0 $0xF7A, s2;
	p2 =	seq.s32 @!p0 s5, $0x0  }
0x1f: {  	s9 =	smul.u32 $0xF7A, s1;
	s8 =	simm.s32 @!p0 $0x1BF5;
	p2 =	por !p2, p0  }
0x20: {  	[sflag:s8] =	ssyncset.s32 @!p0 $0xFFFFF086;
	s6 =	sadd.s32 @!p0 s3, s7;
	s7 =	simm.s32 @!p0 $0x108  }
0x21: {  	s3 =	sadd.s32 s3, s9;
	s6 =	sadd.s32 @!p0 $0x88, s6;
	s7 =	simm.s32 @p2 $0x1082  }
0x22: {  	[simem:s7], [sflag:s8] =	dma.local @!p0 [hbm:s6], $0xF7A  }
0x23: {  	s9 =	sor.u32 $0xD0000000, s2;
	s6 =	simm.s32 $0x108;
	_ =	swait.ge @!p0 [sflag:s8], $0x0  }
0x24: {  	s3 =	sadd.s32 $0x88, s3;
	s6 =	simm.s32 @!p1 $0x1082;
	[sflag:s4] =	ssyncset.s32 $0xFFFFF086  }
0x25: {  	[simem:s6], [sflag:s4] =	dma.local [hbm:s3], $0xF7A  }
0x26: {  	[smem:$0x3F9B] =	sst s1;
	(tag) =	ssettag s2;
	_ =	strace s9  }
0x27: {  	s1 =	sld [smem:$0x3FAB]  }
0x28: {  	s2 =	sld [smem:$0x3FAC]  }
0x29: {  	s4 =	sld [smem:$0x3FAE]  }
0x2a: {  	p0 =	seq.s32 s5, $0x0;
	s5 =	sld [smem:$0x3FAF]  }
0x2b: {  	s6 =	sld [smem:$0x3FB0]  }
0x2c: {  	s7 =	sld [smem:$0x3FB1]  }
0x2d: {  	s3 =	simm.s32 $0x108;
	s8 =	sld [smem:$0x3FB2]  }
0x2e: {  	s3 =	simm.s32 @!p0 $0x1082;
	s9 =	sld [smem:$0x3FB3]  }
0x2f: {  	lr =	sadd.s32 s0, s3;
	s0 =	sld [smem:$0x3FAA]  }
0x30: {  	s3 =	sld [smem:$0x3FAD]  }
0x31: {  	[smem:$0x3FB6] =	sst s10  }
0x32: {  	s10 =	sld [smem:$0x3FB4];
	_ =	sdelay $0x3  }
0x33: {  	p0 =	seq.s32 s10, $0x1;
	s10 =	sld [smem:$0x3FB6];
	_ =	sdelay $0x3  }
0x34: {  	[smem:$0x3FB6] =	sst s10  }
0x35: {  	s10 =	sld [smem:$0x3FB5];
	_ =	sdelay $0x3  }
0x36: {  	p1 =	seq.s32 s10, $0x1;
	s10 =	sld [smem:$0x3FB6];
	_ =	sdelay $0x3  }
0x37: {  	[smem:$0x3FB6] =	sst s10  }
0x38: {  	s10 =	sld [smem:$0x3FB7]  }
0x39: {  	_ = 	snop;
	(pc) =	sbr.ind lr, $3  }
0x3a: {  	_ = 	snop  }
0x3b: {  	_ = 	snop  }
0x3c: {  	p2 =	seq.s32 s10, $0x1;
	s10 =	sld [smem:$0x3FB6]  }
0x3d: {  	_ =	shalt  }
0x3e: {  	_ =	shalt  }
0x3f: {  	_ =	shalt  }
0x40: {  	_ =	shalt  }
0x41: {  	_ =	shalt  }
0x42: {  	_ =	shalt  }
0x43: {  	_ =	shalt  }
0x44: {  	_ =	shalt  }
0x45: {  	_ =	shalt  }
0x46: {  	_ =	shalt  }
0x47: {  	_ =	shalt  }
0x48: {  	_ =	shalt  }
0x49: {  	_ =	shalt  }
0x4a: {  	_ =	shalt  }
0x4b: {  	_ =	shalt  }
0x4c: {  	_ =	shalt  }
0x4d: {  	_ =	shalt  }
0x4e: {  	_ =	shalt  }
0x4f: {  	_ =	shalt  }
0x50: {  	_ =	shalt  }
0x51: {  	_ =	shalt  }
0x52: {  	_ =	shalt  }
0x53: {  	_ =	shalt  }
0x54: {  	_ =	shalt  }
0x55: {  	_ =	shalt  }
0x56: {  	_ =	shalt  }
0x57: {  	_ =	shalt  }
0x58: {  	_ =	shalt  }
0x59: {  	_ =	shalt  }
0x5a: {  	_ =	shalt  }
0x5b: {  	_ =	shalt  }
0x5c: {  	_ =	shalt  }
0x5d: {  	_ =	shalt  }
0x5e: {  	_ =	shalt  }
0x5f: {  	_ =	shalt  }
0x60: {  	_ =	shalt  }
0x61: {  	_ =	shalt  }
0x62: {  	_ =	shalt  }
0x63: {  	_ =	shalt  }
0x64: {  	_ =	shalt  }
0x65: {  	_ =	shalt  }
0x66: {  	_ =	shalt  }
0x67: {  	_ =	shalt  }
0x68: {  	_ =	shalt  }
0x69: {  	_ =	shalt  }
0x6a: {  	_ =	shalt  }
0x6b: {  	_ =	shalt  }
0x6c: {  	_ =	shalt  }
0x6d: {  	_ =	shalt  }
0x6e: {  	_ =	shalt  }
0x6f: {  	_ =	shalt  }
0x70: {  	_ =	shalt  }
0x71: {  	_ =	shalt  }
0x72: {  	_ =	shalt  }
0x73: {  	_ =	shalt  }
0x74: {  	_ =	shalt  }
0x75: {  	_ =	shalt  }
0x76: {  	_ =	shalt  }
0x77: {  	_ =	shalt  }
0x78: {  	_ =	shalt  }
0x79: {  	_ =	shalt  }
0x7a: {  	_ =	shalt  }
0x7b: {  	_ =	shalt  }
0x7c: {  	_ =	shalt  }
0x7d: {  	_ =	shalt  }
0x7e: {  	_ =	shalt  }
0x7f: {  	_ =	shalt  }
0x80: {  	_ =	shalt  }
0x81: {  	_ =	shalt  }
0x82: {  	_ =	shalt  }
0x83: {  	_ =	shalt  }
0x84: {  	_ =	shalt  }
0x85: {  	_ =	shalt  }
0x86: {  	_ =	shalt  }
0x87: {  	_ =	shalt  }
.Lfunc_end0:
.L_simem_size_0:
called_computation_lowered:
.L_overlay_start_0:
0x88: {  	s2 =	sld [smem:$0x3FD9]  }
0x89: {  	s3 =	sld [smem:$0x3FFE];
	_ =	sdelay $0x1  }
0x8a: {  	s1 =	srdreg.scid  }
0x8b: {  	s0 =	sand.u32 $0x1, s1  }
0x8c: {  	s17 =	sshll.u32 s0, $0xA;
	s2 =	sadd.s32 s3, s2  }
0x8d: {  	s2 =	sadd.s32 s2, s17  }
0x8e: {  	[smem:$0x3FC2] =	sst s2  }
0x8f: {  	_ = 	snop  }
0x90: {  	s2 =	sld [smem:$0x3FD0];
	(tm) =	ssettm $0x1  }
0x91: {  	s18 =	sld [smem:$0x3FFB];
	_ =	sdelay $0x3  }
0x92: {  	_ =	strace s18  }
0x93: {  	s3 =	sld [smem:$0x3FFC];
	_ =	sdelay $0x3  }
0x94: {  	_ =	strace s3  }
0x95: {  	s3 =	sld [smem:$0x3FFD];
	_ =	sdelay $0x3  }
0x96: {  	_ =	strace s3  }
0x97: {  	_ =	strace $0x8FFFFFFF  }
0x98: {  	s19 =	sld [smem:$0x3FDB];
	_ =	sdelay $0x1  }
0x99: {  	s4 =	simm.s32 $_scs_section_size  }
0x9a: {  	s5 =	simm.s32 $_size__tile_overlayer_lowered;
	s6 =	simm.s32 $_tile_overlayer_lowered  }
0x9b: {  	s22 =	simm.s32 $0x1BFF;
	s21 =	sshll.u32 s6, $0x1;
	s3 =	sadd.s32 s4, s19  }
0x9c: {  	s7 =	simm.s32 $0x0;
	s20 =	sshll.u32 s5, $0x1;
	s5 =	sadd.s32 s21, s3  }
0x9d: {  	[timem:s7], [sflag:s22] =	dma.local [hbm:s5], s20  }
0x9e: {  	_ =	swait.ge [sflag:s22], s20  }
0x9f: {  	s4 =	ssub.s32 $0x0, s20;
	[sflag:s22] =	ssyncset.done $0x0  }
0xa0: {  	[sflag:s22] =	ssyncadd.s32 s4;
	_ =	sdelay $0x1  }
0xa1: {  	s23 =	simm.s32 $0x1B8B  }
0xa2: {  	_ =	swait.ge [sflag:s23], $0x1  }
0xa3: {  	[sflag:s23] =	ssyncset.done $0x0  }
0xa4: {  	s25 =	simm.s32 $0x1B8E;
	s24 =	sld [smem:$0x3FFE];
	[sflag:s23] =	ssyncadd.s32 $0xFFFFFFFF  }
0xa5: {  	s26 =	simm.s32 $execute0_lowered;
	[smem:$0x3FD2] =	sst s25  }
0xa6: {  	s5 =	sshll.u32 s26, $0x1;
	_ =	strace $0x80000046;
	[dreg:$0x1] =	wrdreg $0xFFFFFFFF  }
0xa7: {  	s28 =	simm.s32 $_size_execute0_lowered;
	s3 =	sadd.s32 s3, s5;
	[dreg:$0x0] =	wrdreg $0x0  }
0xa8: {  	s5 =	sshll.u32 s28, $0x1;
	[dreg:$0x2] =	wrdreg s3  }
0xa9: {  	[dreg:$0x3] =	wrdreg s5  }
0xaa: {  	[dreg:$0x4] =	wrdreg $0xC0  }
0xab: {  	_ =	task [dreg:s7], $0x5FFFF  }
0xac: {  	[dreg:$0x1] =	wrdreg $0xFFFFFFFF  }
0xad: {  	[dreg:$0x0] =	wrdreg $0x60  }
0xae: {  	[dreg:$0x2] =	wrdreg s24  }
0xaf: {  	[dreg:$0x3] =	wrdreg s2  }
0xb0: {  	[dreg:$0x4] =	wrdreg $0x68000  }
0xb1: {  	[dreg:$0x5] =	wrdreg $0x9  }
0xb2: {  	_ =	task.clear_ibuf [dreg:s7], $0x6FFFF;
	_ =	strace $0x90000046  }
0xb3: {  	s29 =	simm.s32 $0x9;
	_ =	strace $0x80000048  }
0xb4: {  	_ =	swait.ge [sflag:s29], $0x1  }
0xb5: {  	[sflag:s29] =	ssyncadd.s32 $0xFFFFFFFF  }
0xb6: {  	_ =	strace $0x90000048  }
0xb7: {  	_ =	sfence  }
0xb8: {  	s30 =	sld [smem:$0x0];
	_ =	sdelay $0x2  }
0xb9: {  	s31 =	sshll.u32 s1, $0xD;
	s1 =	sshrl.u32 s1, $0x2  }
0xba: {  	s3 =	sand.u32 $0x4000, s31;
	s1 =	sadd.s32 s1, s30  }
0xbb: {  	s0 =	sor.u32 s3, s0;
	s1 =	sshll.u32 s1, $0x11  }
0xbc: {  	s0 =	sor.u32 s1, s0  }
0xbd: {  	s0 =	sadd.s32 $0x8F2B, s0  }
0xbe: {  	[sflag:s0] =	ssyncadd.remote.s32 $0x1  }
0xbf: {  	_ =	sfence.sel $0xFFFF  }
0xc0: {  	[dreg:$0x0] =	wrdreg $0xFFFFFFFF;
	(pc) =	sbr.abs _section_cstart, $3  }
0xc1: {  	[dreg:$0x1] =	wrdreg $0xFFFFFFFF  }
0xc2: {  	_ =	task.clear_ibuf [dreg:s7], $0x2FFFF;
	_ =	strace $0x9FFFFFFF  }
0xc3: {  	(tm) =	ssettm $0x7FFFFFFF  }
tec
execute0_lowered:
.L_overlay_start_1:
0x0: {  	(tag) =	ssettag $0x1  }
0x1: {  	s5 =	rddreg [dreg:$0x0]  }
0x2: {  	s7 =	rddreg [dreg:$0x1]  }
0x3: {  	s2 =	rddreg [dreg:$0x2]  }
0x4: {  	s0 =	rddreg [dreg:$0x3];
	s1 =	stileid.u32  }
0x5: {  	s3 =	simm.s32 $0x0;
	s6 =	srdreg.scid;
	s4 =	smul.u32 $0x500, s1  }
0x6: {  	s19 =	simm.s32 $0x0;
	[smem:$0x7FF] =	sst s3;
	s30 =	smul.u32 $0x50000, s1  }
0x7: {  	s17 =	sand.u32 $0x1, s6;
	s31 =	smul.u32 $0x2800, s1;
	s11 =	sshll.u32 s1, $0x6  }
0x8: {  	_ =	strace $0x80000047;
	s9 =	ssub.s32 $0x2, s17;
	s11 =	sor.u32 $0x1C01, s11  }
0x9: {  	p0 =	sne.s32 s17, $0x0;
	s17 =	simm.s32 $0x80;
	s8 =	sadd.s32 s4, s5  }
0xa: {  	s4 =	sadd.s32 $0x7000, s5;
	s10 =	sshrl.u32 s9, $0x1;
	s6 =	sshrl.u32 s30, $0x2  }
0xb: {  	s5 =	sadd.s32 $0x6800, s5;
	s7 =	sadd.s32 s7, s31;
	s9 =	ssub.s32 s9, s10  }
0xc: {  	s18 =	sadd.s32 s6, s2;
	s6 =	sadd.s32 $0x1800, s8;
	s10 =	simm.s32 $0x1  }
0xd: {  	s13 =	sadd.s32 $0x4000, s18;
	s14 =	sadd.s32 $0x8000, s18;
	s15 =	sadd.s32 $0xC000, s18  }
0xe: {  	s16 =	sadd.s32 $0x10000, s18;
	s8 =	smax.u32 s9, $0x1;
	s9 =	simm.s32 $0x2800  }
0xf: {  	s12 =	sshrl.u32 s18, $0x3;
	s18 =	sshrl.u32 @!p0 s18, $0x3;
	s13 =	sshrl.u32 s13, $0x3  }
0x10: {  	s14 =	sshrl.u32 s14, $0x3;
	s15 =	sshrl.u32 s15, $0x3;
	s16 =	sshrl.u32 s16, $0x3  }
.LBB2_1:
0x11: {  	[tilespmem:s9], [sflag:$0x1] =	stream.linear.gather [hbm4b:s4+s3], $0x4000, $0x38;
	[tilespmem:$0x1A800] =	vst v63  }
0x12: {  	_ =	swait.ge [sflag:s10], $0x4000  }
0x13: {  	[sflag:s10] =	ssyncset.done $0x0  }
0x14: {  	[sflag:s10] =	ssyncadd.s32 $0xFFFFC000  }
0x15: {  	[spmem:s12], [sflag:s11] =	dma.local [hbm:s5], $0x800  }
0x16: {  	_ =	swait.ge [sflag:s10], $0x800  }
0x17: {  	[sflag:s10] =	ssyncset.done $0x0  }
0x18: {  	[sflag:s10] =	ssyncadd.s32 $0xFFFFF800  }
0x19: {  	[spmem:s13], [sflag:s11] =	dma.local [hbm:s5], $0x800  }
0x1a: {  	_ =	swait.ge [sflag:s10], $0x800  }
0x1b: {  	[sflag:s10] =	ssyncset.done $0x0  }
0x1c: {  	[sflag:s10] =	ssyncadd.s32 $0xFFFFF800  }
0x1d: {  	[spmem:s14], [sflag:s11] =	dma.local [hbm:s5], $0x800  }
0x1e: {  	_ =	swait.ge [sflag:s10], $0x800  }
0x1f: {  	[sflag:s10] =	ssyncset.done $0x0  }
0x20: {  	[sflag:s10] =	ssyncadd.s32 $0xFFFFF800  }
0x21: {  	[spmem:s15], [sflag:s11] =	dma.local [hbm:s5], $0x800  }
0x22: {  	_ =	swait.ge [sflag:s10], $0x800  }
0x23: {  	[sflag:s10] =	ssyncset.done $0x0  }
0x24: {  	[sflag:s10] =	ssyncadd.s32 $0xFFFFF800  }
0x25: {  	[spmem:s16], [sflag:s11] =	dma.local [hbm:s5], $0x800  }
0x26: {  	_ =	swait.ge [sflag:s10], $0x800  }
0x27: {  	[sflag:s10] =	ssyncset.done $0x0  }
0x28: {  	[sflag:s10] =	ssyncadd.s32 $0xFFFFF800  }
0x29: {  	[bflag:$0x0] =	sbarrier.arrive $0xFFFF  }
0x2a: {  	[tilespmem:s3], [sflag:$0x1] =	stream.linear.gather [hbm4b:s6+s3], $0x2780, $0x38;
	[tilespmem:$0x1A800] =	vst v63  }
0x2b: {  	_ =	swait.ge [sflag:s10], $0x2780  }
0x2c: {  	[sflag:s10] =	ssyncset.done $0x0  }
0x2d: {  	s20 =	simm.s32 $0x0;
	[sflag:s10] =	ssyncadd.s32 $0xFFFFD880  }
0x2e: {  	[spmem:s2] =	stream.indirect.scatter.add.f32 [tilespmem:s9], [sflag:$0x1], $0x80, s20, s17, $0xb8;
	[tilespmem:$0x1A800] =	vst v63  }
0x2f: {  	_ =	swait.ge [sflag:s10], $0x4000  }
0x30: {  	s20 =	simm.s32 $0x200;
	[sflag:s10] =	ssyncset.done $0x0  }
.LBB2_2:
0x31: {  	s21 =	sshra.s32 s20, $0x2;
	[sflag:s10] =	ssyncadd.s32 $0xFFFFC000;
	p1 =	sne.s32 s20, $0x9C00  }
0x32: {  	[spmem:s2] =	stream.indirect.scatter.add.f32 [tilespmem:s9], [sflag:$0x1], $0x80, s21, s17, $0xb8;
	[tilespmem:$0x1A800] =	vst v63  }
.Ltmp0:
0x33: {  	_ = 	snop;
	(pc) =	sbr.rel @p1 .LBB2_2-.Ltmp0, $4  }
0x34: {  	_ = 	snop  }
0x35: {  	s20 =	sadd.s32 $0x200, s20  }
0x36: {  	_ =	swait.ge [sflag:s10], $0x4000  }
0x37: {  	[sflag:s10] =	ssyncset.done $0x0  }
0x38: {  	s19 =	sadd.s32 $0x1, s19  }
0x39: {  	[sflag:s10] =	ssyncadd.s32 $0xFFFFC000;
	p1 =	sne.s32 s19, s8  }
.Ltmp1:
0x3a: {  	s20 =	simm.s32 @!p0 $0x1;
	[bflag:$0x0] =	sbarrier.arrive $0xFFFF;
	(pc) =	sbr.rel @p1 .LBB2_1-.Ltmp1, $4  }
0x3b: {  	[hbm:s7], [sflag:s11] =	dma.local @!p0 [spmem:s18], $0x2800  }
0x3c: {  	_ =	swait.ge @!p0 [sflag:s20], $0x2800  }
0x3d: {  	[sflag:s20] =	ssyncset.done @!p0 $0x0  }
0x3e: {  	[sflag:s20] =	ssyncadd.s32 @!p0 $0xFFFFD800  }
0x3f: {  	_ =	sfence.sel $0x180000  }
0x40: {  	[bflag:$0x0] =	sbarrier.arrive $0xFFFF  }
0x41: {  	p0 =	sne.s32 s1, $0x0;
	_ =	strace $0x90000047  }
0x42: {  	s0 =	sadd.s32 @!p0 $0x100000, s0;
	[bflag:$0x2] =	sbarrier.arrive $0xFFFF  }
0x43: {  	[sflag:s0] =	ssyncadd.tile.s32 @!p0 $0x1;
	_ =	shalt  }
.Lfunc_end2:
_tile_overlayer_lowered:
.L_overlay_start_2:
0x44: {  	(tag) =	ssettag $0x2  }
0x45: {  	s0 =	rddreg [dreg:$0x0];
	s2 =	stileid.u32  }
0x46: {  	s1 =	rddreg [dreg:$0x1];
	p0 =	sne.s32 s2, $0x0  }
0x47: {  	s3 =	rddreg [dreg:$0x2];
	[bflag:$0x3] =	sbarrier.arrive $0xFFFF;
	s2 =	simm.s32 @!p0 $0x1C01  }
0x48: {  	[timem:s3], [sflag:s2] =	dma.local @!p0 [hbm:s0], s1  }
0x49: {  	s0 =	simm.s32 @!p0 $0x1  }
0x4a: {  	_ =	swait.ge @!p0 [sflag:s0], s1  }
0x4b: {  	s1 =	ssub.s32 @!p0 $0x0, s1;
	[sflag:s0] =	ssyncset.done @!p0 $0x0  }
0x4c: {  	[sflag:s0] =	ssyncadd.s32 @!p0 s1  }
0x4d: {  	[bflag:$0x3] =	sbarrier.arrive $0xFFFF  }
0x4e: {  	_ =	shalt  }

</sc_bundles>
